<compile_context>
chip_gen: v7x
topology: tpu7x:2x2x1
jax: 0.10.2.dev20260603
libtpu: 0.0.44.dev20260713+nightly
codegen_flags: <defaults>
</compile_context>

<pallas_src>
import functools

import jax
import jax.numpy as jnp
from jax import lax
from jax.experimental import pallas as pl
from jax.experimental.pallas import tpu as pltpu
from jax.experimental.pallas import tpu_sc as plsc

N_NODES = 10000
D_IN = 128
D_HID = 128
D_OUT = 64

NC, NS = 2, 16
NW = NC * NS
EC = 2048
COLS = D_HID // NW
NROW = 10240

TC_BLK = 2048
TC_GRID = NROW // TC_BLK


def _sc_mesh():
    return plsc.VectorSubcoreMesh(
        core_axis_name="c", subcore_axis_name="s", num_cores=NC, num_subcores=NS
    )


def _sc_degree(dst_f, nch):

    @functools.partial(
        pl.kernel,
        out_type=jax.ShapeDtypeStruct((NC, NS, NROW // 128, 128), jnp.float32),
        mesh=_sc_mesh(),
        compiler_params=pltpu.CompilerParams(needs_layout_passes=False),
        scratch_types=[
            pltpu.VMEM((NROW // 128, 128), jnp.float32),
            pltpu.VMEM((16, 128), jnp.int32),
        ],
    )
    def k(dst_hbm, out_hbm, deg_loc, dbuf):
        cid = lax.axis_index("c")
        sid = lax.axis_index("s")
        tid = cid * NS + sid
        nper = nch // NW

        def z(i, c):
            for cc in range(8):
                deg_loc[i, pl.ds(cc * 16, 16)] = jnp.zeros((16,), jnp.float32)
            return c

        lax.fori_loop(0, NROW // 128, z, 0)
        ones = jnp.ones((16,), jnp.float32)

        def chunk(q, c):
            pltpu.sync_copy(dst_hbm.at[tid * nper + q], dbuf)

            @plsc.parallel_loop(0, EC // 16, step=1, unroll=8)
            def inner(i):
                d16 = lax.bitwise_and(dbuf[i // 8, pl.ds((i % 8) * 16, 16)], 0xFFFF)
                plsc.addupdate_scatter(
                    deg_loc,
                    [lax.shift_right_logical(d16, 7), lax.bitwise_and(d16, 127)],
                    ones,
                )

            return c

        lax.fori_loop(0, nper, chunk, 0)
        pltpu.sync_copy(deg_loc, out_hbm.at[cid, sid])

    return k(dst_f)


def _sc_aggregate(yT_r, sd_f, nch):

    @functools.partial(
        pl.kernel,
        out_type=jax.ShapeDtypeStruct((NC, NS, COLS * NROW), jnp.float32),
        mesh=_sc_mesh(),
        compiler_params=pltpu.CompilerParams(needs_layout_passes=False),
        scratch_types=[
            pltpu.VMEM((COLS * NROW,), jnp.float32),
            pltpu.VMEM((COLS * NROW,), jnp.float32),
            pltpu.VMEM((16, 128), jnp.int32),
            pltpu.VMEM((16, 128), jnp.int32),
            pltpu.SemaphoreType.DMA,
            pltpu.SemaphoreType.DMA,
        ],
    )
    def k(y_hbm, sd_hbm, out_hbm, y_loc, acc_loc, eA, eB, semA, semB):
        cid = lax.axis_index("c")
        sid = lax.axis_index("s")
        tid = cid * NS + sid

        pltpu.sync_copy(y_hbm.at[tid], y_loc)

        def z(i, carry):
            acc_loc[pl.ds(i * 16, 16)] = jnp.zeros((16,), jnp.float32)
            return carry

        lax.fori_loop(0, COLS * NROW // 16, z, 0)

        pltpu.async_copy(sd_hbm.at[0], eA, semA)

        def run_chunk(q, eb, sm, eo, smo):
            @pl.when(q + 1 < nch)
            def _pf():
                pltpu.async_copy(sd_hbm.at[q + 1], eo, smo)

            pltpu.make_async_copy(sd_hbm.at[q], eb, sm).wait()

            @plsc.parallel_loop(0, EC // 16, step=1, unroll=16)
            def inner(i):
                sd16 = eb[i // 8, pl.ds((i % 8) * 16, 16)]
                s16 = lax.shift_right_logical(sd16, 16)
                d16 = lax.bitwise_and(sd16, 0xFFFF)
                for c in range(COLS):
                    v = plsc.load_gather(y_loc, [s16 + (c * NROW)])
                    plsc.addupdate_scatter(acc_loc, [d16 + (c * NROW)], v)

        def pairq(p, carry):
            run_chunk(2 * p, eA, semA, eB, semB)
            run_chunk(2 * p + 1, eB, semB, eA, semA)
            return carry

        lax.fori_loop(0, nch // 2, pairq, 0)

        pltpu.sync_copy(acc_loc, out_hbm.at[cid, sid])

    return k(yT_r, sd_f)


def _deg_inv(degp_ref):
    dsum = jnp.sum(degp_ref[...], axis=(0, 1)) + 1.0
    return lax.rsqrt(dsum)


def _tc_y_body(degp_ref, x_ref, wg_ref, y_ref):
    dinv = _deg_inv(degp_ref)
    xwT = lax.dot_general(
        wg_ref[...], x_ref[...], (((0,), (1,)), ((), ())),
        preferred_element_type=jnp.float32,
    )
    y_ref[...] = xwT * dinv


def _tc_head_body(degp_ref, agg_ref, y_ref, bg_ref, wl_ref, bl_ref, out_ref):
    dinv = _deg_inv(degp_ref)
    h = jnp.maximum((agg_ref[...] + y_ref[...]) * dinv + bg_ref[...], 0.0)
    out_ref[...] = (
        lax.dot_general(h, wl_ref[...], (((0,), (0,)), ((), ())),
                        preferred_element_type=jnp.float32)
        + bl_ref[...]
    )


def kernel(x, edge_index, W_g, b_g, W_l, b_l):
    src = edge_index[0].astype(jnp.int32)
    dst = edge_index[1].astype(jnp.int32)
    x_p = jnp.concatenate(
        [x, jnp.zeros((NROW - N_NODES, D_IN), jnp.float32)], axis=0
    )
    n_edges = src.shape[0]
    nch = -(-n_edges // EC)
    nch = -(-nch // NW) * NW
    pad = nch * EC - n_edges

    garbage = N_NODES + (jnp.arange(pad, dtype=jnp.int32) % 16)
    src_p = jnp.concatenate([src, jnp.zeros((pad,), jnp.int32)])
    dst_p = jnp.concatenate([dst, garbage])
    sd_f = (lax.shift_left(src_p, 16) | dst_p).reshape(nch, 16, 128)

    degp = _sc_degree(sd_f, nch).reshape(NC, NS, 1, NROW)

    yT = pl.pallas_call(
        _tc_y_body,
        grid=(TC_GRID,),
        in_specs=[
            pl.BlockSpec((NC, NS, 1, TC_BLK), lambda i: (0, 0, 0, i)),
            pl.BlockSpec((TC_BLK, D_IN), lambda i: (i, 0)),
            pl.BlockSpec((D_IN, D_HID), lambda i: (0, 0)),
        ],
        out_specs=pl.BlockSpec((D_HID, TC_BLK), lambda i: (0, i)),
        out_shape=jax.ShapeDtypeStruct((D_HID, NROW), jnp.float32),
    )(degp, x_p, W_g)

    p = _sc_aggregate(yT.reshape(NW, COLS * NROW), sd_f, nch)
    aggT = p.reshape(D_HID, NROW)

    out = pl.pallas_call(
        _tc_head_body,
        grid=(TC_GRID,),
        in_specs=[
            pl.BlockSpec((NC, NS, 1, TC_BLK), lambda i: (0, 0, 0, i)),
            pl.BlockSpec((D_HID, TC_BLK), lambda i: (0, i)),
            pl.BlockSpec((D_HID, TC_BLK), lambda i: (0, i)),
            pl.BlockSpec((D_HID, 1), lambda i: (0, 0)),
            pl.BlockSpec((D_HID, D_OUT), lambda i: (0, 0)),
            pl.BlockSpec((1, D_OUT), lambda i: (0, 0)),
        ],
        out_specs=pl.BlockSpec((TC_BLK, D_OUT), lambda i: (i, 0)),
        out_shape=jax.ShapeDtypeStruct((NROW, D_OUT), jnp.float32),
    )(degp, aggT, yT, b_g.reshape(D_HID, 1), W_l, b_l.reshape(1, D_OUT))

    return out[:N_NODES]

# --- scband reference (transcript-rebuilt; emitter-appended) ---
"""Pipeline reference for scband-gcn-t-16020228014647 (READ-ONLY COPY).

The authoritative reference and input builder live on the scoring server;
editing this copy changes nothing except your own understanding.
"""

import jax, jax.numpy as jnp
import numpy as np

N_NODES = 10000
N_EDGES = 320000
D_IN = 128
D_HID = 128
D_OUT = 64


def setup_inputs(seed: int = 0) -> dict:
    key = jax.random.key(seed)
    k1, k2, k3, k4, k5, k6 = jax.random.split(key, 6)
    x = jax.random.normal(k1, (N_NODES, D_IN), dtype=jnp.float32)
    edge_index = jax.random.randint(k2, (2, N_EDGES), 0, N_NODES, dtype=jnp.int64)
    # GCNConv weight (glorot-ish) and bias
    W_g = jax.random.normal(k3, (D_IN, D_HID), dtype=jnp.float32) * (1.0 / np.sqrt(D_IN))
    b_g = jnp.zeros((D_HID,), dtype=jnp.float32)
    # Linear head
    W_l = jax.random.normal(k4, (D_HID, D_OUT), dtype=jnp.float32) * (1.0 / np.sqrt(D_HID))
    b_l = jnp.zeros((D_OUT,), dtype=jnp.float32)
    return {"x": x, "edge_index": edge_index, "W_g": W_g, "b_g": b_g, "W_l": W_l, "b_l": b_l}


def _gcn_conv(x, edge_index, W, b):
    N = x.shape[0]
    src = edge_index[0]
    dst = edge_index[1]
    # add self loops (GCNConv default)
    loop = jnp.arange(N, dtype=edge_index.dtype)
    src = jnp.concatenate([src, loop])
    dst = jnp.concatenate([dst, loop])
    # symmetric normalization D^{-1/2} A D^{-1/2}
    deg = jax.ops.segment_sum(jnp.ones_like(dst, dtype=x.dtype), dst, num_segments=N)
    deg_inv_sqrt = jnp.where(deg > 0, 1.0 / jnp.sqrt(deg), 0.0)
    norm = deg_inv_sqrt[src] * deg_inv_sqrt[dst]
    xw = x @ W
    msg = xw[src] * norm[:, None]
    out = jax.ops.segment_sum(msg, dst, num_segments=N)
    return out + b


def reference(x, edge_index, W_g, b_g, W_l, b_l):
    # graph_layers: GCNConv + ReLU
    h = _gcn_conv(x, edge_index, W_g, b_g)
    h = jax.nn.relu(h)
    # linear_layers: Linear head
    out = h @ W_l + b_l
    return out

if __name__ == "__main__":
    import jax
    _d = setup_inputs()
    print(jax.jit(kernel)(*tuple(_d.values())))

</pallas_src>

<mosaic_0001>
#map = affine_map<(d0, d1) -> (0, 0, 0)>
#map1 = affine_map<(d0, d1) -> (0, 0, 0, 0)>
module attributes {stable_mosaic.version = 14 : i64} {
  func.func @k(%arg0: i32, %arg1: i32, %arg2: memref<160x16x128xi32, #tpu.memory_space<hbm>>, %arg3: memref<2x16x80x128xf32, #tpu.memory_space<hbm>>, %arg4: memref<80x128xf32, #tpu.memory_space<vmem>>, %arg5: memref<16x128xi32, #tpu.memory_space<vmem>>) attributes {dimension_semantics = [#tpu.dimension_semantics<core_parallel>, #tpu.dimension_semantics<subcore_parallel>], iteration_bounds = array<i64: 2, 16>, scalar_prefetch = 0 : i64, scratch_operands = 2 : i64, tpu.core_type = #tpu.core_type<sc_vector_subcore>, window_params = [{transform_indices = #map}, {transform_indices = #map1}]} {
    %mul3A = arith.constant 16 : i32
    %mul3A_0 = arith.muli %arg0, %mul3A : i32
    %add3A = arith.addi %mul3A_0, %arg1 : i32
    %scan3A = arith.constant 0 : i32
    %scan3A_1 = arith.constant 0 : i32
    %scan3A_2 = arith.constant 80 : i32
    %scan3A_3 = arith.addi %scan3A_1, %scan3A_2 : i32
    %scan3A_4 = arith.constant 1 : i32
    scf.for %scan3A_13 = %scan3A_1 to %scan3A_3 step %scan3A_4  : i32 {
      %broadcast_in_dim3A_14 = arith.constant 0.000000e+00 : f32
      %broadcast_in_dim3A_15 = vector.broadcast %broadcast_in_dim3A_14 : f32 to vector<16xf32>
      %swap3A = arith.index_cast %scan3A_13 : i32 to index
      %swap3A_16 = arith.constant 0 : index
      %swap3A_17 = tpu.vector_load %arg4[%swap3A, %swap3A_16] {strides = array<i32>} : memref<80x128xf32, #tpu.memory_space<vmem>>, vector<16xf32>,
      tpu.vector_store %arg4[%swap3A, %swap3A_16], %broadcast_in_dim3A_15 {strides = array<i32>} : memref<80x128xf32, #tpu.memory_space<vmem>>, vector<16xf32>,
      %broadcast_in_dim3A_18 = arith.constant 0.000000e+00 : f32
      %broadcast_in_dim3A_19 = vector.broadcast %broadcast_in_dim3A_18 : f32 to vector<16xf32>
      %swap3A_20 = arith.index_cast %scan3A_13 : i32 to index
      %swap3A_21 = arith.constant 16 : index
      %swap3A_22 = tpu.vector_load %arg4[%swap3A_20, %swap3A_21] {strides = array<i32>} : memref<80x128xf32, #tpu.memory_space<vmem>>, vector<16xf32>,
      tpu.vector_store %arg4[%swap3A_20, %swap3A_21], %broadcast_in_dim3A_19 {strides = array<i32>} : memref<80x128xf32, #tpu.memory_space<vmem>>, vector<16xf32>,
      %broadcast_in_dim3A_23 = arith.constant 0.000000e+00 : f32
      %broadcast_in_dim3A_24 = vector.broadcast %broadcast_in_dim3A_23 : f32 to vector<16xf32>
      %swap3A_25 = arith.index_cast %scan3A_13 : i32 to index
      %swap3A_26 = arith.constant 32 : index
      %swap3A_27 = tpu.vector_load %arg4[%swap3A_25, %swap3A_26] {strides = array<i32>} : memref<80x128xf32, #tpu.memory_space<vmem>>, vector<16xf32>,
      tpu.vector_store %arg4[%swap3A_25, %swap3A_26], %broadcast_in_dim3A_24 {strides = array<i32>} : memref<80x128xf32, #tpu.memory_space<vmem>>, vector<16xf32>,
      %broadcast_in_dim3A_28 = arith.constant 0.000000e+00 : f32
      %broadcast_in_dim3A_29 = vector.broadcast %broadcast_in_dim3A_28 : f32 to vector<16xf32>
      %swap3A_30 = arith.index_cast %scan3A_13 : i32 to index
      %swap3A_31 = arith.constant 48 : index
      %swap3A_32 = tpu.vector_load %arg4[%swap3A_30, %swap3A_31] {strides = array<i32>} : memref<80x128xf32, #tpu.memory_space<vmem>>, vector<16xf32>,
      tpu.vector_store %arg4[%swap3A_30, %swap3A_31], %broadcast_in_dim3A_29 {strides = array<i32>} : memref<80x128xf32, #tpu.memory_space<vmem>>, vector<16xf32>,
      %broadcast_in_dim3A_33 = arith.constant 0.000000e+00 : f32
      %broadcast_in_dim3A_34 = vector.broadcast %broadcast_in_dim3A_33 : f32 to vector<16xf32>
      %swap3A_35 = arith.index_cast %scan3A_13 : i32 to index
      %swap3A_36 = arith.constant 64 : index
      %swap3A_37 = tpu.vector_load %arg4[%swap3A_35, %swap3A_36] {strides = array<i32>} : memref<80x128xf32, #tpu.memory_space<vmem>>, vector<16xf32>,
      tpu.vector_store %arg4[%swap3A_35, %swap3A_36], %broadcast_in_dim3A_34 {strides = array<i32>} : memref<80x128xf32, #tpu.memory_space<vmem>>, vector<16xf32>,
      %broadcast_in_dim3A_38 = arith.constant 0.000000e+00 : f32
      %broadcast_in_dim3A_39 = vector.broadcast %broadcast_in_dim3A_38 : f32 to vector<16xf32>
      %swap3A_40 = arith.index_cast %scan3A_13 : i32 to index
      %swap3A_41 = arith.constant 80 : index
      %swap3A_42 = tpu.vector_load %arg4[%swap3A_40, %swap3A_41] {strides = array<i32>} : memref<80x128xf32, #tpu.memory_space<vmem>>, vector<16xf32>,
      tpu.vector_store %arg4[%swap3A_40, %swap3A_41], %broadcast_in_dim3A_39 {strides = array<i32>} : memref<80x128xf32, #tpu.memory_space<vmem>>, vector<16xf32>,
      %broadcast_in_dim3A_43 = arith.constant 0.000000e+00 : f32
      %broadcast_in_dim3A_44 = vector.broadcast %broadcast_in_dim3A_43 : f32 to vector<16xf32>
      %swap3A_45 = arith.index_cast %scan3A_13 : i32 to index
      %swap3A_46 = arith.constant 96 : index
      %swap3A_47 = tpu.vector_load %arg4[%swap3A_45, %swap3A_46] {strides = array<i32>} : memref<80x128xf32, #tpu.memory_space<vmem>>, vector<16xf32>,
      tpu.vector_store %arg4[%swap3A_45, %swap3A_46], %broadcast_in_dim3A_44 {strides = array<i32>} : memref<80x128xf32, #tpu.memory_space<vmem>>, vector<16xf32>,
      %broadcast_in_dim3A_48 = arith.constant 0.000000e+00 : f32
      %broadcast_in_dim3A_49 = vector.broadcast %broadcast_in_dim3A_48 : f32 to vector<16xf32>
      %swap3A_50 = arith.index_cast %scan3A_13 : i32 to index
      %swap3A_51 = arith.constant 112 : index
      %swap3A_52 = tpu.vector_load %arg4[%swap3A_50, %swap3A_51] {strides = array<i32>} : memref<80x128xf32, #tpu.memory_space<vmem>>, vector<16xf32>,
      tpu.vector_store %arg4[%swap3A_50, %swap3A_51], %broadcast_in_dim3A_49 {strides = array<i32>} : memref<80x128xf32, #tpu.memory_space<vmem>>, vector<16xf32>,
    }
    %scan3A_5 = arith.constant 80 : i32
    %broadcast_in_dim3A = arith.constant 1.000000e+00 : f32
    %broadcast_in_dim3A_6 = vector.broadcast %broadcast_in_dim3A : f32 to vector<16xf32>
    %scan3A_7 = arith.constant 0 : i32
    %scan3A_8 = arith.constant 0 : i32
    %scan3A_9 = arith.constant 5 : i32
    %scan3A_10 = arith.addi %scan3A_8, %scan3A_9 : i32
    %scan3A_11 = arith.constant 1 : i32
    scf.for %scan3A_13 = %scan3A_8 to %scan3A_10 step %scan3A_11  : i32 {
      %mul3A_14 = arith.constant 5 : i32
      %mul3A_15 = arith.muli %add3A, %mul3A_14 : i32
      %add3A_16 = arith.addi %mul3A_15, %scan3A_13 : i32
      "tpu.region"() ({
        %run_scoped3A = tpu.sem_alloc : memref<!tpu.dma_semaphore, #tpu.memory_space<semaphore_mem>>
        %dma_start3A = arith.constant 0 : i32
        %dma_start3A_19 = arith.constant 0 : i32
        %dma_start3A_20 = tpu.memref_slice %arg2[%add3A_16, %dma_start3A, %dma_start3A_19] : memref<160x16x128xi32, #tpu.memory_space<hbm>> -> memref<1x16x128xi32, #tpu.memory_space<hbm>>
        %dma_start3A_21 = tpu.memref_squeeze %dma_start3A_20 : memref<1x16x128xi32, #tpu.memory_space<hbm>> -> memref<16x128xi32, #tpu.memory_space<hbm>>
        %dma_start3A_22 = arith.constant 0 : i32
        %dma_start3A_23 = arith.constant 0 : i32
        %dma_start3A_24 = tpu.memref_slice %arg2[%add3A_16, %dma_start3A_22, %dma_start3A_23] : memref<160x16x128xi32, #tpu.memory_space<hbm>> -> memref<1x16x128xi32, #tpu.memory_space<hbm>>
        %dma_start3A_25 = tpu.memref_squeeze %dma_start3A_24 : memref<1x16x128xi32, #tpu.memory_space<hbm>> -> memref<16x128xi32, #tpu.memory_space<hbm>>
        tpu.enqueue_dma source(%dma_start3A_25 : memref<16x128xi32, #tpu.memory_space<hbm>>) target(%arg5 : memref<16x128xi32, #tpu.memory_space<vmem>>) target_semaphore(%run_scoped3A : memref<!tpu.dma_semaphore, #tpu.memory_space<semaphore_mem>>)
        %dma_wait3A = arith.constant 0 : i32
        %dma_wait3A_26 = arith.constant 0 : i32
        %dma_wait3A_27 = tpu.memref_slice %arg2[%add3A_16, %dma_wait3A, %dma_wait3A_26] : memref<160x16x128xi32, #tpu.memory_space<hbm>> -> memref<1x16x128xi32, #tpu.memory_space<hbm>>
        %dma_wait3A_28 = tpu.memref_squeeze %dma_wait3A_27 : memref<1x16x128xi32, #tpu.memory_space<hbm>> -> memref<16x128xi32, #tpu.memory_space<hbm>>
        %dma_wait3A_29 = arith.constant 0 : i32
        %dma_wait3A_30 = arith.constant 0 : i32
        %dma_wait3A_31 = tpu.memref_slice %arg2[%add3A_16, %dma_wait3A_29, %dma_wait3A_30] : memref<160x16x128xi32, #tpu.memory_space<hbm>> -> memref<1x16x128xi32, #tpu.memory_space<hbm>>
        %dma_wait3A_32 = tpu.memref_squeeze %dma_wait3A_31 : memref<1x16x128xi32, #tpu.memory_space<hbm>> -> memref<16x128xi32, #tpu.memory_space<hbm>>
        tpu.wait_dma2 semaphore(%run_scoped3A : memref<!tpu.dma_semaphore, #tpu.memory_space<semaphore_mem>>) src(%dma_wait3A_32 : memref<16x128xi32, #tpu.memory_space<hbm>>) dst(%arg5 : memref<16x128xi32, #tpu.memory_space<vmem>>)
        tpu.yield
      }) : () -> ()
      %parallel_loop3A = arith.constant 0 : i32
      %parallel_loop3A_17 = arith.constant 128 : i32
      %parallel_loop3A_18 = arith.constant 1 : i32
      scf.for %parallel_loop3A_19 = %parallel_loop3A to %parallel_loop3A_17 step %parallel_loop3A_18  : i32 {
        %parallel_loop3A_20 = arith.constant 8 : i32
        %parallel_loop3A_21 = arith.divsi %parallel_loop3A_19, %parallel_loop3A_20 : i32
        %parallel_loop3A_22 = arith.constant 0 : i32
        %parallel_loop3A_23 = arith.cmpi sgt, %parallel_loop3A_19, %parallel_loop3A_22 : i32
        %parallel_loop3A_24 = arith.extui %parallel_loop3A_23 : i1 to i32
        %parallel_loop3A_25 = arith.constant 0 : i32
        %parallel_loop3A_26 = arith.cmpi slt, %parallel_loop3A_19, %parallel_loop3A_25 : i32
        %parallel_loop3A_27 = arith.extui %parallel_loop3A_26 : i1 to i32
        %parallel_loop3A_28 = arith.subi %parallel_loop3A_24, %parallel_loop3A_27 : i32
        %parallel_loop3A_29 = arith.constant 0 : i32
        %parallel_loop3A_30 = arith.cmpi sgt, %parallel_loop3A_20, %parallel_loop3A_29 : i32
        %parallel_loop3A_31 = arith.extui %parallel_loop3A_30 : i1 to i32
        %parallel_loop3A_32 = arith.constant 0 : i32
        %parallel_loop3A_33 = arith.cmpi slt, %parallel_loop3A_20, %parallel_loop3A_32 : i32
        %parallel_loop3A_34 = arith.extui %parallel_loop3A_33 : i1 to i32
        %parallel_loop3A_35 = arith.subi %parallel_loop3A_31, %parallel_loop3A_34 : i32
        %parallel_loop3A_36 = arith.cmpi ne, %parallel_loop3A_28, %parallel_loop3A_35 : i32
        %parallel_loop3A_37 = arith.remsi %parallel_loop3A_19, %parallel_loop3A_20 : i32
        %parallel_loop3A_38 = arith.constant 0 : i32
        %parallel_loop3A_39 = arith.cmpi ne, %parallel_loop3A_37, %parallel_loop3A_38 : i32
        %parallel_loop3A_40 = arith.andi %parallel_loop3A_36, %parallel_loop3A_39 : i1
        %parallel_loop3A_41 = arith.constant 1 : i32
        %parallel_loop3A_42 = arith.subi %parallel_loop3A_21, %parallel_loop3A_41 : i32
        %parallel_loop3A_43 = arith.select %parallel_loop3A_40, %parallel_loop3A_42, %parallel_loop3A_21 : i32
        %parallel_loop3A_44 = arith.constant 8 : i32
        %parallel_loop3A_45 = arith.constant 0 : i32
        %parallel_loop3A_46 = arith.cmpi eq, %parallel_loop3A_44, %parallel_loop3A_45 : i32
        %parallel_loop3A_47 = arith.constant 1 : i32
        %parallel_loop3A_48 = arith.select %parallel_loop3A_46, %parallel_loop3A_47, %parallel_loop3A_44 : i32
        %parallel_loop3A_49 = arith.remsi %parallel_loop3A_19, %parallel_loop3A_48 : i32
        %parallel_loop3A_50 = arith.constant 0 : i32
        %parallel_loop3A_51 = arith.cmpi ne, %parallel_loop3A_49, %parallel_loop3A_50 : i32
        %parallel_loop3A_52 = arith.constant 0 : i32
        %parallel_loop3A_53 = arith.cmpi slt, %parallel_loop3A_49, %parallel_loop3A_52 : i32
        %parallel_loop3A_54 = arith.constant 0 : i32
        %parallel_loop3A_55 = arith.cmpi slt, %parallel_loop3A_48, %parallel_loop3A_54 : i32
        %parallel_loop3A_56 = arith.xori %parallel_loop3A_53, %parallel_loop3A_55 : i1
        %parallel_loop3A_57 = arith.andi %parallel_loop3A_56, %parallel_loop3A_51 : i1
        %parallel_loop3A_58 = arith.addi %parallel_loop3A_49, %parallel_loop3A_48 : i32
        %parallel_loop3A_59 = arith.select %parallel_loop3A_57, %parallel_loop3A_58, %parallel_loop3A_49 : i32
        %parallel_loop3A_60 = arith.constant 16 : i32
        %parallel_loop3A_61 = arith.muli %parallel_loop3A_59, %parallel_loop3A_60 : i32
        %parallel_loop3A_62 = arith.index_cast %parallel_loop3A_43 : i32 to index
        %parallel_loop3A_63 = arith.index_cast %parallel_loop3A_61 : i32 to index
        %parallel_loop3A_64 = tpu.vector_load %arg5[%parallel_loop3A_62, %parallel_loop3A_63] {strides = array<i32>} : memref<16x128xi32, #tpu.memory_space<vmem>>, vector<16xi32>,
        %parallel_loop3A_65 = arith.constant 65535 : i32
        %parallel_loop3A_66 = vector.broadcast %parallel_loop3A_65 : i32 to vector<16xi32>
        %parallel_loop3A_67 = arith.andi %parallel_loop3A_64, %parallel_loop3A_66 : vector<16xi32>
        %parallel_loop3A_68 = arith.constant 7 : i32
        %parallel_loop3A_69 = vector.broadcast %parallel_loop3A_68 : i32 to vector<16xi32>
        %parallel_loop3A_70 = arith.shrui %parallel_loop3A_67, %parallel_loop3A_69 : vector<16xi32>
        %parallel_loop3A_71 = arith.constant 127 : i32
        %parallel_loop3A_72 = vector.broadcast %parallel_loop3A_71 : i32 to vector<16xi32>
        %parallel_loop3A_73 = arith.andi %parallel_loop3A_67, %parallel_loop3A_72 : vector<16xi32>
        tpu.vector_store_idx %arg4[%parallel_loop3A_70, %parallel_loop3A_73], %broadcast_in_dim3A_6 {add = true} : memref<80x128xf32, #tpu.memory_space<vmem>>[vector<16xi32>, vector<16xi32>], vector<16xf32>,
      } {sc.loop_unroll_factor = 8 : i64, sc.parallel_access}
    }
    %scan3A_12 = arith.constant 5 : i32
    "tpu.region"() ({
      %run_scoped3A = tpu.sem_alloc : memref<!tpu.dma_semaphore, #tpu.memory_space<semaphore_mem>>
      %dma_start3A = arith.constant 0 : i32
      %dma_start3A_13 = arith.constant 0 : i32
      %dma_start3A_14 = tpu.memref_slice %arg3[%arg0, %arg1, %dma_start3A, %dma_start3A_13] : memref<2x16x80x128xf32, #tpu.memory_space<hbm>> -> memref<1x1x80x128xf32, #tpu.memory_space<hbm>>
      %dma_start3A_15 = tpu.memref_squeeze %dma_start3A_14 : memref<1x1x80x128xf32, #tpu.memory_space<hbm>> -> memref<80x128xf32, #tpu.memory_space<hbm>>
      %dma_start3A_16 = arith.constant 0 : i32
      %dma_start3A_17 = arith.constant 0 : i32
      %dma_start3A_18 = tpu.memref_slice %arg3[%arg0, %arg1, %dma_start3A_16, %dma_start3A_17] : memref<2x16x80x128xf32, #tpu.memory_space<hbm>> -> memref<1x1x80x128xf32, #tpu.memory_space<hbm>>
      %dma_start3A_19 = tpu.memref_squeeze %dma_start3A_18 : memref<1x1x80x128xf32, #tpu.memory_space<hbm>> -> memref<80x128xf32, #tpu.memory_space<hbm>>
      tpu.enqueue_dma source(%arg4 : memref<80x128xf32, #tpu.memory_space<vmem>>) target(%dma_start3A_19 : memref<80x128xf32, #tpu.memory_space<hbm>>) target_semaphore(%run_scoped3A : memref<!tpu.dma_semaphore, #tpu.memory_space<semaphore_mem>>)
      %dma_wait3A = arith.constant 0 : i32
      %dma_wait3A_20 = arith.constant 0 : i32
      %dma_wait3A_21 = tpu.memref_slice %arg3[%arg0, %arg1, %dma_wait3A, %dma_wait3A_20] : memref<2x16x80x128xf32, #tpu.memory_space<hbm>> -> memref<1x1x80x128xf32, #tpu.memory_space<hbm>>
      %dma_wait3A_22 = tpu.memref_squeeze %dma_wait3A_21 : memref<1x1x80x128xf32, #tpu.memory_space<hbm>> -> memref<80x128xf32, #tpu.memory_space<hbm>>
      %dma_wait3A_23 = arith.constant 0 : i32
      %dma_wait3A_24 = arith.constant 0 : i32
      %dma_wait3A_25 = tpu.memref_slice %arg3[%arg0, %arg1, %dma_wait3A_23, %dma_wait3A_24] : memref<2x16x80x128xf32, #tpu.memory_space<hbm>> -> memref<1x1x80x128xf32, #tpu.memory_space<hbm>>
      %dma_wait3A_26 = tpu.memref_squeeze %dma_wait3A_25 : memref<1x1x80x128xf32, #tpu.memory_space<hbm>> -> memref<80x128xf32, #tpu.memory_space<hbm>>
      tpu.wait_dma2 semaphore(%run_scoped3A : memref<!tpu.dma_semaphore, #tpu.memory_space<semaphore_mem>>) src(%arg4 : memref<80x128xf32, #tpu.memory_space<vmem>>) dst(%dma_wait3A_26 : memref<80x128xf32, #tpu.memory_space<hbm>>)
      tpu.yield
    }) : () -> ()
    return
  }
}

#map = affine_map<(d0, d1) -> (0, 0)>
#map1 = affine_map<(d0, d1) -> (0, 0, 0)>
module attributes {stable_mosaic.version = 14 : i64} {
  func.func @k(%arg0: i32, %arg1: i32, %arg2: memref<32x40960xf32, #tpu.memory_space<hbm>>, %arg3: memref<160x16x128xi32, #tpu.memory_space<hbm>>, %arg4: memref<2x16x40960xf32, #tpu.memory_space<hbm>>, %arg5: memref<40960xf32, #tpu.memory_space<vmem>>, %arg6: memref<40960xf32, #tpu.memory_space<vmem>>, %arg7: memref<16x128xi32, #tpu.memory_space<vmem>>, %arg8: memref<16x128xi32, #tpu.memory_space<vmem>>, %arg9: memref<!tpu.dma_semaphore, #tpu.memory_space<semaphore_mem>>, %arg10: memref<!tpu.dma_semaphore, #tpu.memory_space<semaphore_mem>>) attributes {dimension_semantics = [#tpu.dimension_semantics<core_parallel>, #tpu.dimension_semantics<subcore_parallel>], iteration_bounds = array<i64: 2, 16>, scalar_prefetch = 0 : i64, scratch_operands = 6 : i64, tpu.core_type = #tpu.core_type<sc_vector_subcore>, window_params = [{transform_indices = #map}, {transform_indices = #map1}, {transform_indices = #map1}]} {
    %mul3A = arith.constant 16 : i32
    %mul3A_0 = arith.muli %arg0, %mul3A : i32
    %add3A = arith.addi %mul3A_0, %arg1 : i32
    "tpu.region"() ({
      %run_scoped3A = tpu.sem_alloc : memref<!tpu.dma_semaphore, #tpu.memory_space<semaphore_mem>>
      %dma_start3A_20 = arith.constant 0 : i32
      %dma_start3A_21 = tpu.memref_slice %arg2[%add3A, %dma_start3A_20] : memref<32x40960xf32, #tpu.memory_space<hbm>> -> memref<1x40960xf32, #tpu.memory_space<hbm>>
      %dma_start3A_22 = tpu.memref_squeeze %dma_start3A_21 : memref<1x40960xf32, #tpu.memory_space<hbm>> -> memref<40960xf32, #tpu.memory_space<hbm>>
      %dma_start3A_23 = arith.constant 0 : i32
      %dma_start3A_24 = tpu.memref_slice %arg2[%add3A, %dma_start3A_23] : memref<32x40960xf32, #tpu.memory_space<hbm>> -> memref<1x40960xf32, #tpu.memory_space<hbm>>
      %dma_start3A_25 = tpu.memref_squeeze %dma_start3A_24 : memref<1x40960xf32, #tpu.memory_space<hbm>> -> memref<40960xf32, #tpu.memory_space<hbm>>
      tpu.enqueue_dma source(%dma_start3A_25 : memref<40960xf32, #tpu.memory_space<hbm>>) target(%arg5 : memref<40960xf32, #tpu.memory_space<vmem>>) target_semaphore(%run_scoped3A : memref<!tpu.dma_semaphore, #tpu.memory_space<semaphore_mem>>)
      %dma_wait3A = arith.constant 0 : i32
      %dma_wait3A_26 = tpu.memref_slice %arg2[%add3A, %dma_wait3A] : memref<32x40960xf32, #tpu.memory_space<hbm>> -> memref<1x40960xf32, #tpu.memory_space<hbm>>
      %dma_wait3A_27 = tpu.memref_squeeze %dma_wait3A_26 : memref<1x40960xf32, #tpu.memory_space<hbm>> -> memref<40960xf32, #tpu.memory_space<hbm>>
      %dma_wait3A_28 = arith.constant 0 : i32
      %dma_wait3A_29 = tpu.memref_slice %arg2[%add3A, %dma_wait3A_28] : memref<32x40960xf32, #tpu.memory_space<hbm>> -> memref<1x40960xf32, #tpu.memory_space<hbm>>
      %dma_wait3A_30 = tpu.memref_squeeze %dma_wait3A_29 : memref<1x40960xf32, #tpu.memory_space<hbm>> -> memref<40960xf32, #tpu.memory_space<hbm>>
      tpu.wait_dma2 semaphore(%run_scoped3A : memref<!tpu.dma_semaphore, #tpu.memory_space<semaphore_mem>>) src(%dma_wait3A_30 : memref<40960xf32, #tpu.memory_space<hbm>>) dst(%arg5 : memref<40960xf32, #tpu.memory_space<vmem>>)
      tpu.yield
    }) : () -> ()
    %scan3A = arith.constant 0 : i32
    %scan3A_1 = arith.constant 0 : i32
    %scan3A_2 = arith.constant 2560 : i32
    %scan3A_3 = arith.addi %scan3A_1, %scan3A_2 : i32
    %scan3A_4 = arith.constant 1 : i32
    scf.for %scan3A_20 = %scan3A_1 to %scan3A_3 step %scan3A_4  : i32 {
      %broadcast_in_dim3A = arith.constant 0.000000e+00 : f32
      %broadcast_in_dim3A_21 = vector.broadcast %broadcast_in_dim3A : f32 to vector<16xf32>
      %mul3A_22 = arith.constant 16 : i32
      %mul3A_23 = arith.muli %scan3A_20, %mul3A_22 : i32
      %swap3A = arith.index_cast %mul3A_23 : i32 to index
      %swap3A_24 = tpu.vector_load %arg6[%swap3A] {strides = array<i32>} : memref<40960xf32, #tpu.memory_space<vmem>>, vector<16xf32>,
      tpu.vector_store %arg6[%swap3A], %broadcast_in_dim3A_21 {strides = array<i32>} : memref<40960xf32, #tpu.memory_space<vmem>>, vector<16xf32>,
    }
    %scan3A_5 = arith.constant 2560 : i32
    %dma_start3A = arith.constant 0 : i32
    %dma_start3A_6 = arith.constant 0 : i32
    %dma_start3A_7 = arith.constant 0 : i32
    %dma_start3A_8 = tpu.memref_slice %arg3[%dma_start3A, %dma_start3A_6, %dma_start3A_7] : memref<160x16x128xi32, #tpu.memory_space<hbm>> -> memref<1x16x128xi32, #tpu.memory_space<hbm>>
    %dma_start3A_9 = tpu.memref_squeeze %dma_start3A_8 : memref<1x16x128xi32, #tpu.memory_space<hbm>> -> memref<16x128xi32, #tpu.memory_space<hbm>>
    %dma_start3A_10 = arith.constant 0 : i32
    %dma_start3A_11 = arith.constant 0 : i32
    %dma_start3A_12 = tpu.memref_slice %arg3[%dma_start3A, %dma_start3A_10, %dma_start3A_11] : memref<160x16x128xi32, #tpu.memory_space<hbm>> -> memref<1x16x128xi32, #tpu.memory_space<hbm>>
    %dma_start3A_13 = tpu.memref_squeeze %dma_start3A_12 : memref<1x16x128xi32, #tpu.memory_space<hbm>> -> memref<16x128xi32, #tpu.memory_space<hbm>>
    tpu.enqueue_dma source(%dma_start3A_13 : memref<16x128xi32, #tpu.memory_space<hbm>>) target(%arg7 : memref<16x128xi32, #tpu.memory_space<vmem>>) target_semaphore(%arg9 : memref<!tpu.dma_semaphore, #tpu.memory_space<semaphore_mem>>)
    %scan3A_14 = arith.constant 0 : i32
    %scan3A_15 = arith.constant 0 : i32
    %scan3A_16 = arith.constant 80 : i32
    %scan3A_17 = arith.addi %scan3A_15, %scan3A_16 : i32
    %scan3A_18 = arith.constant 1 : i32
    scf.for %scan3A_20 = %scan3A_15 to %scan3A_17 step %scan3A_18  : i32 {
      %mul3A_21 = arith.constant 2 : i32
      %mul3A_22 = arith.muli %mul3A_21, %scan3A_20 : i32
      %add3A_23 = arith.constant 1 : i32
      %add3A_24 = arith.addi %mul3A_22, %add3A_23 : i32
      %lt3A = arith.constant 160 : i32
      %lt3A_25 = arith.cmpi slt, %add3A_24, %lt3A : i32
      %convert_element_type3A = arith.extui %lt3A_25 : i1 to i32
      %cond3A = arith.constant 0 : i32
      %cond3A_26 = arith.cmpi ne, %convert_element_type3A, %cond3A : i32
      scf.if %cond3A_26 {
        %add3A_58 = arith.constant 1 : i32
        %add3A_59 = arith.addi %mul3A_22, %add3A_58 : i32
        %dma_start3A_60 = arith.constant 0 : i32
        %dma_start3A_61 = arith.constant 0 : i32
        %dma_start3A_62 = tpu.memref_slice %arg3[%add3A_59, %dma_start3A_60, %dma_start3A_61] : memref<160x16x128xi32, #tpu.memory_space<hbm>> -> memref<1x16x128xi32, #tpu.memory_space<hbm>>
        %dma_start3A_63 = tpu.memref_squeeze %dma_start3A_62 : memref<1x16x128xi32, #tpu.memory_space<hbm>> -> memref<16x128xi32, #tpu.memory_space<hbm>>
        %dma_start3A_64 = arith.constant 0 : i32
        %dma_start3A_65 = arith.constant 0 : i32
        %dma_start3A_66 = tpu.memref_slice %arg3[%add3A_59, %dma_start3A_64, %dma_start3A_65] : memref<160x16x128xi32, #tpu.memory_space<hbm>> -> memref<1x16x128xi32, #tpu.memory_space<hbm>>
        %dma_start3A_67 = tpu.memref_squeeze %dma_start3A_66 : memref<1x16x128xi32, #tpu.memory_space<hbm>> -> memref<16x128xi32, #tpu.memory_space<hbm>>
        tpu.enqueue_dma source(%dma_start3A_67 : memref<16x128xi32, #tpu.memory_space<hbm>>) target(%arg8 : memref<16x128xi32, #tpu.memory_space<vmem>>) target_semaphore(%arg10 : memref<!tpu.dma_semaphore, #tpu.memory_space<semaphore_mem>>)
      } else {
      }
      %dma_wait3A = arith.constant 0 : i32
      %dma_wait3A_27 = arith.constant 0 : i32
      %dma_wait3A_28 = tpu.memref_slice %arg3[%mul3A_22, %dma_wait3A, %dma_wait3A_27] : memref<160x16x128xi32, #tpu.memory_space<hbm>> -> memref<1x16x128xi32, #tpu.memory_space<hbm>>
      %dma_wait3A_29 = tpu.memref_squeeze %dma_wait3A_28 : memref<1x16x128xi32, #tpu.memory_space<hbm>> -> memref<16x128xi32, #tpu.memory_space<hbm>>
      %dma_wait3A_30 = arith.constant 0 : i32
      %dma_wait3A_31 = arith.constant 0 : i32
      %dma_wait3A_32 = tpu.memref_slice %arg3[%mul3A_22, %dma_wait3A_30, %dma_wait3A_31] : memref<160x16x128xi32, #tpu.memory_space<hbm>> -> memref<1x16x128xi32, #tpu.memory_space<hbm>>
      %dma_wait3A_33 = tpu.memref_squeeze %dma_wait3A_32 : memref<1x16x128xi32, #tpu.memory_space<hbm>> -> memref<16x128xi32, #tpu.memory_space<hbm>>
      tpu.wait_dma2 semaphore(%arg9 : memref<!tpu.dma_semaphore, #tpu.memory_space<semaphore_mem>>) src(%dma_wait3A_33 : memref<16x128xi32, #tpu.memory_space<hbm>>) dst(%arg7 : memref<16x128xi32, #tpu.memory_space<vmem>>)
      %parallel_loop3A = arith.constant 0 : i32
      %parallel_loop3A_34 = arith.constant 128 : i32
      %parallel_loop3A_35 = arith.constant 1 : i32
      scf.for %parallel_loop3A_58 = %parallel_loop3A to %parallel_loop3A_34 step %parallel_loop3A_35  : i32 {
        %parallel_loop3A_59 = arith.constant 8 : i32
        %parallel_loop3A_60 = arith.divsi %parallel_loop3A_58, %parallel_loop3A_59 : i32
        %parallel_loop3A_61 = arith.constant 0 : i32
        %parallel_loop3A_62 = arith.cmpi sgt, %parallel_loop3A_58, %parallel_loop3A_61 : i32
        %parallel_loop3A_63 = arith.extui %parallel_loop3A_62 : i1 to i32
        %parallel_loop3A_64 = arith.constant 0 : i32
        %parallel_loop3A_65 = arith.cmpi slt, %parallel_loop3A_58, %parallel_loop3A_64 : i32
        %parallel_loop3A_66 = arith.extui %parallel_loop3A_65 : i1 to i32
        %parallel_loop3A_67 = arith.subi %parallel_loop3A_63, %parallel_loop3A_66 : i32
        %parallel_loop3A_68 = arith.constant 0 : i32
        %parallel_loop3A_69 = arith.cmpi sgt, %parallel_loop3A_59, %parallel_loop3A_68 : i32
        %parallel_loop3A_70 = arith.extui %parallel_loop3A_69 : i1 to i32
        %parallel_loop3A_71 = arith.constant 0 : i32
        %parallel_loop3A_72 = arith.cmpi slt, %parallel_loop3A_59, %parallel_loop3A_71 : i32
        %parallel_loop3A_73 = arith.extui %parallel_loop3A_72 : i1 to i32
        %parallel_loop3A_74 = arith.subi %parallel_loop3A_70, %parallel_loop3A_73 : i32
        %parallel_loop3A_75 = arith.cmpi ne, %parallel_loop3A_67, %parallel_loop3A_74 : i32
        %parallel_loop3A_76 = arith.remsi %parallel_loop3A_58, %parallel_loop3A_59 : i32
        %parallel_loop3A_77 = arith.constant 0 : i32
        %parallel_loop3A_78 = arith.cmpi ne, %parallel_loop3A_76, %parallel_loop3A_77 : i32
        %parallel_loop3A_79 = arith.andi %parallel_loop3A_75, %parallel_loop3A_78 : i1
        %parallel_loop3A_80 = arith.constant 1 : i32
        %parallel_loop3A_81 = arith.subi %parallel_loop3A_60, %parallel_loop3A_80 : i32
        %parallel_loop3A_82 = arith.select %parallel_loop3A_79, %parallel_loop3A_81, %parallel_loop3A_60 : i32
        %parallel_loop3A_83 = arith.constant 8 : i32
        %parallel_loop3A_84 = arith.constant 0 : i32
        %parallel_loop3A_85 = arith.cmpi eq, %parallel_loop3A_83, %parallel_loop3A_84 : i32
        %parallel_loop3A_86 = arith.constant 1 : i32
        %parallel_loop3A_87 = arith.select %parallel_loop3A_85, %parallel_loop3A_86, %parallel_loop3A_83 : i32
        %parallel_loop3A_88 = arith.remsi %parallel_loop3A_58, %parallel_loop3A_87 : i32
        %parallel_loop3A_89 = arith.constant 0 : i32
        %parallel_loop3A_90 = arith.cmpi ne, %parallel_loop3A_88, %parallel_loop3A_89 : i32
        %parallel_loop3A_91 = arith.constant 0 : i32
        %parallel_loop3A_92 = arith.cmpi slt, %parallel_loop3A_88, %parallel_loop3A_91 : i32
        %parallel_loop3A_93 = arith.constant 0 : i32
        %parallel_loop3A_94 = arith.cmpi slt, %parallel_loop3A_87, %parallel_loop3A_93 : i32
        %parallel_loop3A_95 = arith.xori %parallel_loop3A_92, %parallel_loop3A_94 : i1
        %parallel_loop3A_96 = arith.andi %parallel_loop3A_95, %parallel_loop3A_90 : i1
        %parallel_loop3A_97 = arith.addi %parallel_loop3A_88, %parallel_loop3A_87 : i32
        %parallel_loop3A_98 = arith.select %parallel_loop3A_96, %parallel_loop3A_97, %parallel_loop3A_88 : i32
        %parallel_loop3A_99 = arith.constant 16 : i32
        %parallel_loop3A_100 = arith.muli %parallel_loop3A_98, %parallel_loop3A_99 : i32
        %parallel_loop3A_101 = arith.index_cast %parallel_loop3A_82 : i32 to index
        %parallel_loop3A_102 = arith.index_cast %parallel_loop3A_100 : i32 to index
        %parallel_loop3A_103 = tpu.vector_load %arg7[%parallel_loop3A_101, %parallel_loop3A_102] {strides = array<i32>} : memref<16x128xi32, #tpu.memory_space<vmem>>, vector<16xi32>,
        %parallel_loop3A_104 = arith.constant 16 : i32
        %parallel_loop3A_105 = vector.broadcast %parallel_loop3A_104 : i32 to vector<16xi32>
        %parallel_loop3A_106 = arith.shrui %parallel_loop3A_103, %parallel_loop3A_105 : vector<16xi32>
        %parallel_loop3A_107 = arith.constant 65535 : i32
        %parallel_loop3A_108 = vector.broadcast %parallel_loop3A_107 : i32 to vector<16xi32>
        %parallel_loop3A_109 = arith.andi %parallel_loop3A_103, %parallel_loop3A_108 : vector<16xi32>
        %parallel_loop3A_110 = arith.constant 0 : i32
        %parallel_loop3A_111 = vector.broadcast %parallel_loop3A_110 : i32 to vector<16xi32>
        %parallel_loop3A_112 = arith.addi %parallel_loop3A_106, %parallel_loop3A_111 : vector<16xi32>
        %parallel_loop3A_113 = tpu.vector_load_idx %arg5[%parallel_loop3A_112] : memref<40960xf32, #tpu.memory_space<vmem>>[vector<16xi32>], vector<16xf32>,
        %parallel_loop3A_114 = arith.constant 0 : i32
        %parallel_loop3A_115 = vector.broadcast %parallel_loop3A_114 : i32 to vector<16xi32>
        %parallel_loop3A_116 = arith.addi %parallel_loop3A_109, %parallel_loop3A_115 : vector<16xi32>
        tpu.vector_store_idx %arg6[%parallel_loop3A_116], %parallel_loop3A_113 {add = true} : memref<40960xf32, #tpu.memory_space<vmem>>[vector<16xi32>], vector<16xf32>,
        %parallel_loop3A_117 = arith.constant 10240 : i32
        %parallel_loop3A_118 = vector.broadcast %parallel_loop3A_117 : i32 to vector<16xi32>
        %parallel_loop3A_119 = arith.addi %parallel_loop3A_106, %parallel_loop3A_118 : vector<16xi32>
        %parallel_loop3A_120 = tpu.vector_load_idx %arg5[%parallel_loop3A_119] : memref<40960xf32, #tpu.memory_space<vmem>>[vector<16xi32>], vector<16xf32>,
        %parallel_loop3A_121 = arith.constant 10240 : i32
        %parallel_loop3A_122 = vector.broadcast %parallel_loop3A_121 : i32 to vector<16xi32>
        %parallel_loop3A_123 = arith.addi %parallel_loop3A_109, %parallel_loop3A_122 : vector<16xi32>
        tpu.vector_store_idx %arg6[%parallel_loop3A_123], %parallel_loop3A_120 {add = true} : memref<40960xf32, #tpu.memory_space<vmem>>[vector<16xi32>], vector<16xf32>,
        %parallel_loop3A_124 = arith.constant 20480 : i32
        %parallel_loop3A_125 = vector.broadcast %parallel_loop3A_124 : i32 to vector<16xi32>
        %parallel_loop3A_126 = arith.addi %parallel_loop3A_106, %parallel_loop3A_125 : vector<16xi32>
        %parallel_loop3A_127 = tpu.vector_load_idx %arg5[%parallel_loop3A_126] : memref<40960xf32, #tpu.memory_space<vmem>>[vector<16xi32>], vector<16xf32>,
        %parallel_loop3A_128 = arith.constant 20480 : i32
        %parallel_loop3A_129 = vector.broadcast %parallel_loop3A_128 : i32 to vector<16xi32>
        %parallel_loop3A_130 = arith.addi %parallel_loop3A_109, %parallel_loop3A_129 : vector<16xi32>
        tpu.vector_store_idx %arg6[%parallel_loop3A_130], %parallel_loop3A_127 {add = true} : memref<40960xf32, #tpu.memory_space<vmem>>[vector<16xi32>], vector<16xf32>,
        %parallel_loop3A_131 = arith.constant 30720 : i32
        %parallel_loop3A_132 = vector.broadcast %parallel_loop3A_131 : i32 to vector<16xi32>
        %parallel_loop3A_133 = arith.addi %parallel_loop3A_106, %parallel_loop3A_132 : vector<16xi32>
        %parallel_loop3A_134 = tpu.vector_load_idx %arg5[%parallel_loop3A_133] : memref<40960xf32, #tpu.memory_space<vmem>>[vector<16xi32>], vector<16xf32>,
        %parallel_loop3A_135 = arith.constant 30720 : i32
        %parallel_loop3A_136 = vector.broadcast %parallel_loop3A_135 : i32 to vector<16xi32>
        %parallel_loop3A_137 = arith.addi %parallel_loop3A_109, %parallel_loop3A_136 : vector<16xi32>
        tpu.vector_store_idx %arg6[%parallel_loop3A_137], %parallel_loop3A_134 {add = true} : memref<40960xf32, #tpu.memory_space<vmem>>[vector<16xi32>], vector<16xf32>,
      } {sc.loop_unroll_factor = 16 : i64, sc.parallel_access}
      %mul3A_36 = arith.constant 2 : i32
      %mul3A_37 = arith.muli %mul3A_36, %scan3A_20 : i32
      %add3A_38 = arith.constant 1 : i32
      %add3A_39 = arith.addi %mul3A_37, %add3A_38 : i32
      %add3A_40 = arith.constant 1 : i32
      %add3A_41 = arith.addi %add3A_39, %add3A_40 : i32
      %lt3A_42 = arith.constant 160 : i32
      %lt3A_43 = arith.cmpi slt, %add3A_41, %lt3A_42 : i32
      %convert_element_type3A_44 = arith.extui %lt3A_43 : i1 to i32
      %cond3A_45 = arith.constant 0 : i32
      %cond3A_46 = arith.cmpi ne, %convert_element_type3A_44, %cond3A_45 : i32
      scf.if %cond3A_46 {
        %add3A_58 = arith.constant 1 : i32
        %add3A_59 = arith.addi %add3A_39, %add3A_58 : i32
        %dma_start3A_60 = arith.constant 0 : i32
        %dma_start3A_61 = arith.constant 0 : i32
        %dma_start3A_62 = tpu.memref_slice %arg3[%add3A_59, %dma_start3A_60, %dma_start3A_61] : memref<160x16x128xi32, #tpu.memory_space<hbm>> -> memref<1x16x128xi32, #tpu.memory_space<hbm>>
        %dma_start3A_63 = tpu.memref_squeeze %dma_start3A_62 : memref<1x16x128xi32, #tpu.memory_space<hbm>> -> memref<16x128xi32, #tpu.memory_space<hbm>>
        %dma_start3A_64 = arith.constant 0 : i32
        %dma_start3A_65 = arith.constant 0 : i32
        %dma_start3A_66 = tpu.memref_slice %arg3[%add3A_59, %dma_start3A_64, %dma_start3A_65] : memref<160x16x128xi32, #tpu.memory_space<hbm>> -> memref<1x16x128xi32, #tpu.memory_space<hbm>>
        %dma_start3A_67 = tpu.memref_squeeze %dma_start3A_66 : memref<1x16x128xi32, #tpu.memory_space<hbm>> -> memref<16x128xi32, #tpu.memory_space<hbm>>
        tpu.enqueue_dma source(%dma_start3A_67 : memref<16x128xi32, #tpu.memory_space<hbm>>) target(%arg7 : memref<16x128xi32, #tpu.memory_space<vmem>>) target_semaphore(%arg9 : memref<!tpu.dma_semaphore, #tpu.memory_space<semaphore_mem>>)
      } else {
      }
      %dma_wait3A_47 = arith.constant 0 : i32
      %dma_wait3A_48 = arith.constant 0 : i32
      %dma_wait3A_49 = tpu.memref_slice %arg3[%add3A_39, %dma_wait3A_47, %dma_wait3A_48] : memref<160x16x128xi32, #tpu.memory_space<hbm>> -> memref<1x16x128xi32, #tpu.memory_space<hbm>>
      %dma_wait3A_50 = tpu.memref_squeeze %dma_wait3A_49 : memref<1x16x128xi32, #tpu.memory_space<hbm>> -> memref<16x128xi32, #tpu.memory_space<hbm>>
      %dma_wait3A_51 = arith.constant 0 : i32
      %dma_wait3A_52 = arith.constant 0 : i32
      %dma_wait3A_53 = tpu.memref_slice %arg3[%add3A_39, %dma_wait3A_51, %dma_wait3A_52] : memref<160x16x128xi32, #tpu.memory_space<hbm>> -> memref<1x16x128xi32, #tpu.memory_space<hbm>>
      %dma_wait3A_54 = tpu.memref_squeeze %dma_wait3A_53 : memref<1x16x128xi32, #tpu.memory_space<hbm>> -> memref<16x128xi32, #tpu.memory_space<hbm>>
      tpu.wait_dma2 semaphore(%arg10 : memref<!tpu.dma_semaphore, #tpu.memory_space<semaphore_mem>>) src(%dma_wait3A_54 : memref<16x128xi32, #tpu.memory_space<hbm>>) dst(%arg8 : memref<16x128xi32, #tpu.memory_space<vmem>>)
      %parallel_loop3A_55 = arith.constant 0 : i32
      %parallel_loop3A_56 = arith.constant 128 : i32
      %parallel_loop3A_57 = arith.constant 1 : i32
      scf.for %parallel_loop3A_58 = %parallel_loop3A_55 to %parallel_loop3A_56 step %parallel_loop3A_57  : i32 {
        %parallel_loop3A_59 = arith.constant 8 : i32
        %parallel_loop3A_60 = arith.divsi %parallel_loop3A_58, %parallel_loop3A_59 : i32
        %parallel_loop3A_61 = arith.constant 0 : i32
        %parallel_loop3A_62 = arith.cmpi sgt, %parallel_loop3A_58, %parallel_loop3A_61 : i32
        %parallel_loop3A_63 = arith.extui %parallel_loop3A_62 : i1 to i32
        %parallel_loop3A_64 = arith.constant 0 : i32
        %parallel_loop3A_65 = arith.cmpi slt, %parallel_loop3A_58, %parallel_loop3A_64 : i32
        %parallel_loop3A_66 = arith.extui %parallel_loop3A_65 : i1 to i32
        %parallel_loop3A_67 = arith.subi %parallel_loop3A_63, %parallel_loop3A_66 : i32
        %parallel_loop3A_68 = arith.constant 0 : i32
        %parallel_loop3A_69 = arith.cmpi sgt, %parallel_loop3A_59, %parallel_loop3A_68 : i32
        %parallel_loop3A_70 = arith.extui %parallel_loop3A_69 : i1 to i32
        %parallel_loop3A_71 = arith.constant 0 : i32
        %parallel_loop3A_72 = arith.cmpi slt, %parallel_loop3A_59, %parallel_loop3A_71 : i32
        %parallel_loop3A_73 = arith.extui %parallel_loop3A_72 : i1 to i32
        %parallel_loop3A_74 = arith.subi %parallel_loop3A_70, %parallel_loop3A_73 : i32
        %parallel_loop3A_75 = arith.cmpi ne, %parallel_loop3A_67, %parallel_loop3A_74 : i32
        %parallel_loop3A_76 = arith.remsi %parallel_loop3A_58, %parallel_loop3A_59 : i32
        %parallel_loop3A_77 = arith.constant 0 : i32
        %parallel_loop3A_78 = arith.cmpi ne, %parallel_loop3A_76, %parallel_loop3A_77 : i32
        %parallel_loop3A_79 = arith.andi %parallel_loop3A_75, %parallel_loop3A_78 : i1
        %parallel_loop3A_80 = arith.constant 1 : i32
        %parallel_loop3A_81 = arith.subi %parallel_loop3A_60, %parallel_loop3A_80 : i32
        %parallel_loop3A_82 = arith.select %parallel_loop3A_79, %parallel_loop3A_81, %parallel_loop3A_60 : i32
        %parallel_loop3A_83 = arith.constant 8 : i32
        %parallel_loop3A_84 = arith.constant 0 : i32
        %parallel_loop3A_85 = arith.cmpi eq, %parallel_loop3A_83, %parallel_loop3A_84 : i32
        %parallel_loop3A_86 = arith.constant 1 : i32
        %parallel_loop3A_87 = arith.select %parallel_loop3A_85, %parallel_loop3A_86, %parallel_loop3A_83 : i32
        %parallel_loop3A_88 = arith.remsi %parallel_loop3A_58, %parallel_loop3A_87 : i32
        %parallel_loop3A_89 = arith.constant 0 : i32
        %parallel_loop3A_90 = arith.cmpi ne, %parallel_loop3A_88, %parallel_loop3A_89 : i32
        %parallel_loop3A_91 = arith.constant 0 : i32
        %parallel_loop3A_92 = arith.cmpi slt, %parallel_loop3A_88, %parallel_loop3A_91 : i32
        %parallel_loop3A_93 = arith.constant 0 : i32
        %parallel_loop3A_94 = arith.cmpi slt, %parallel_loop3A_87, %parallel_loop3A_93 : i32
        %parallel_loop3A_95 = arith.xori %parallel_loop3A_92, %parallel_loop3A_94 : i1
        %parallel_loop3A_96 = arith.andi %parallel_loop3A_95, %parallel_loop3A_90 : i1
        %parallel_loop3A_97 = arith.addi %parallel_loop3A_88, %parallel_loop3A_87 : i32
        %parallel_loop3A_98 = arith.select %parallel_loop3A_96, %parallel_loop3A_97, %parallel_loop3A_88 : i32
        %parallel_loop3A_99 = arith.constant 16 : i32
        %parallel_loop3A_100 = arith.muli %parallel_loop3A_98, %parallel_loop3A_99 : i32
        %parallel_loop3A_101 = arith.index_cast %parallel_loop3A_82 : i32 to index
        %parallel_loop3A_102 = arith.index_cast %parallel_loop3A_100 : i32 to index
        %parallel_loop3A_103 = tpu.vector_load %arg8[%parallel_loop3A_101, %parallel_loop3A_102] {strides = array<i32>} : memref<16x128xi32, #tpu.memory_space<vmem>>, vector<16xi32>,
        %parallel_loop3A_104 = arith.constant 16 : i32
        %parallel_loop3A_105 = vector.broadcast %parallel_loop3A_104 : i32 to vector<16xi32>
        %parallel_loop3A_106 = arith.shrui %parallel_loop3A_103, %parallel_loop3A_105 : vector<16xi32>
        %parallel_loop3A_107 = arith.constant 65535 : i32
        %parallel_loop3A_108 = vector.broadcast %parallel_loop3A_107 : i32 to vector<16xi32>
        %parallel_loop3A_109 = arith.andi %parallel_loop3A_103, %parallel_loop3A_108 : vector<16xi32>
        %parallel_loop3A_110 = arith.constant 0 : i32
        %parallel_loop3A_111 = vector.broadcast %parallel_loop3A_110 : i32 to vector<16xi32>
        %parallel_loop3A_112 = arith.addi %parallel_loop3A_106, %parallel_loop3A_111 : vector<16xi32>
        %parallel_loop3A_113 = tpu.vector_load_idx %arg5[%parallel_loop3A_112] : memref<40960xf32, #tpu.memory_space<vmem>>[vector<16xi32>], vector<16xf32>,
        %parallel_loop3A_114 = arith.constant 0 : i32
        %parallel_loop3A_115 = vector.broadcast %parallel_loop3A_114 : i32 to vector<16xi32>
        %parallel_loop3A_116 = arith.addi %parallel_loop3A_109, %parallel_loop3A_115 : vector<16xi32>
        tpu.vector_store_idx %arg6[%parallel_loop3A_116], %parallel_loop3A_113 {add = true} : memref<40960xf32, #tpu.memory_space<vmem>>[vector<16xi32>], vector<16xf32>,
        %parallel_loop3A_117 = arith.constant 10240 : i32
        %parallel_loop3A_118 = vector.broadcast %parallel_loop3A_117 : i32 to vector<16xi32>
        %parallel_loop3A_119 = arith.addi %parallel_loop3A_106, %parallel_loop3A_118 : vector<16xi32>
        %parallel_loop3A_120 = tpu.vector_load_idx %arg5[%parallel_loop3A_119] : memref<40960xf32, #tpu.memory_space<vmem>>[vector<16xi32>], vector<16xf32>,
        %parallel_loop3A_121 = arith.constant 10240 : i32
        %parallel_loop3A_122 = vector.broadcast %parallel_loop3A_121 : i32 to vector<16xi32>
        %parallel_loop3A_123 = arith.addi %parallel_loop3A_109, %parallel_loop3A_122 : vector<16xi32>
        tpu.vector_store_idx %arg6[%parallel_loop3A_123], %parallel_loop3A_120 {add = true} : memref<40960xf32, #tpu.memory_space<vmem>>[vector<16xi32>], vector<16xf32>,
        %parallel_loop3A_124 = arith.constant 20480 : i32
        %parallel_loop3A_125 = vector.broadcast %parallel_loop3A_124 : i32 to vector<16xi32>
        %parallel_loop3A_126 = arith.addi %parallel_loop3A_106, %parallel_loop3A_125 : vector<16xi32>
        %parallel_loop3A_127 = tpu.vector_load_idx %arg5[%parallel_loop3A_126] : memref<40960xf32, #tpu.memory_space<vmem>>[vector<16xi32>], vector<16xf32>,
        %parallel_loop3A_128 = arith.constant 20480 : i32
        %parallel_loop3A_129 = vector.broadcast %parallel_loop3A_128 : i32 to vector<16xi32>
        %parallel_loop3A_130 = arith.addi %parallel_loop3A_109, %parallel_loop3A_129 : vector<16xi32>
        tpu.vector_store_idx %arg6[%parallel_loop3A_130], %parallel_loop3A_127 {add = true} : memref<40960xf32, #tpu.memory_space<vmem>>[vector<16xi32>], vector<16xf32>,
        %parallel_loop3A_131 = arith.constant 30720 : i32
        %parallel_loop3A_132 = vector.broadcast %parallel_loop3A_131 : i32 to vector<16xi32>
        %parallel_loop3A_133 = arith.addi %parallel_loop3A_106, %parallel_loop3A_132 : vector<16xi32>
        %parallel_loop3A_134 = tpu.vector_load_idx %arg5[%parallel_loop3A_133] : memref<40960xf32, #tpu.memory_space<vmem>>[vector<16xi32>], vector<16xf32>,
        %parallel_loop3A_135 = arith.constant 30720 : i32
        %parallel_loop3A_136 = vector.broadcast %parallel_loop3A_135 : i32 to vector<16xi32>
        %parallel_loop3A_137 = arith.addi %parallel_loop3A_109, %parallel_loop3A_136 : vector<16xi32>
        tpu.vector_store_idx %arg6[%parallel_loop3A_137], %parallel_loop3A_134 {add = true} : memref<40960xf32, #tpu.memory_space<vmem>>[vector<16xi32>], vector<16xf32>,
      } {sc.loop_unroll_factor = 16 : i64, sc.parallel_access}
    }
    %scan3A_19 = arith.constant 80 : i32
    "tpu.region"() ({
      %run_scoped3A = tpu.sem_alloc : memref<!tpu.dma_semaphore, #tpu.memory_space<semaphore_mem>>
      %dma_start3A_20 = arith.constant 0 : i32
      %dma_start3A_21 = tpu.memref_slice %arg4[%arg0, %arg1, %dma_start3A_20] : memref<2x16x40960xf32, #tpu.memory_space<hbm>> -> memref<1x1x40960xf32, #tpu.memory_space<hbm>>
      %dma_start3A_22 = tpu.memref_squeeze %dma_start3A_21 : memref<1x1x40960xf32, #tpu.memory_space<hbm>> -> memref<40960xf32, #tpu.memory_space<hbm>>
      %dma_start3A_23 = arith.constant 0 : i32
      %dma_start3A_24 = tpu.memref_slice %arg4[%arg0, %arg1, %dma_start3A_23] : memref<2x16x40960xf32, #tpu.memory_space<hbm>> -> memref<1x1x40960xf32, #tpu.memory_space<hbm>>
      %dma_start3A_25 = tpu.memref_squeeze %dma_start3A_24 : memref<1x1x40960xf32, #tpu.memory_space<hbm>> -> memref<40960xf32, #tpu.memory_space<hbm>>
      tpu.enqueue_dma source(%arg6 : memref<40960xf32, #tpu.memory_space<vmem>>) target(%dma_start3A_25 : memref<40960xf32, #tpu.memory_space<hbm>>) target_semaphore(%run_scoped3A : memref<!tpu.dma_semaphore, #tpu.memory_space<semaphore_mem>>)
      %dma_wait3A = arith.constant 0 : i32
      %dma_wait3A_26 = tpu.memref_slice %arg4[%arg0, %arg1, %dma_wait3A] : memref<2x16x40960xf32, #tpu.memory_space<hbm>> -> memref<1x1x40960xf32, #tpu.memory_space<hbm>>
      %dma_wait3A_27 = tpu.memref_squeeze %dma_wait3A_26 : memref<1x1x40960xf32, #tpu.memory_space<hbm>> -> memref<40960xf32, #tpu.memory_space<hbm>>
      %dma_wait3A_28 = arith.constant 0 : i32
      %dma_wait3A_29 = tpu.memref_slice %arg4[%arg0, %arg1, %dma_wait3A_28] : memref<2x16x40960xf32, #tpu.memory_space<hbm>> -> memref<1x1x40960xf32, #tpu.memory_space<hbm>>
      %dma_wait3A_30 = tpu.memref_squeeze %dma_wait3A_29 : memref<1x1x40960xf32, #tpu.memory_space<hbm>> -> memref<40960xf32, #tpu.memory_space<hbm>>
      tpu.wait_dma2 semaphore(%run_scoped3A : memref<!tpu.dma_semaphore, #tpu.memory_space<semaphore_mem>>) src(%arg6 : memref<40960xf32, #tpu.memory_space<vmem>>) dst(%dma_wait3A_30 : memref<40960xf32, #tpu.memory_space<hbm>>)
      tpu.yield
    }) : () -> ()
    return
  }
}

module attributes {stable_mosaic.version = 14 : i64} {
  func.func @_tc_y_body(%arg0: i32, %arg1: memref<2x16x1x2048xf32, #tpu.memory_space<vmem>>, %arg2: memref<2048x128xf32, #tpu.memory_space<vmem>>, %arg3: memref<128x128xf32, #tpu.memory_space<vmem>>, %arg4: memref<128x2048xf32, #tpu.memory_space<vmem>>) attributes {dimension_semantics = [#tpu.dimension_semantics<arbitrary>], iteration_bounds = array<i64: 5>, scalar_prefetch = 0 : i64, scratch_operands = 0 : i64, tpu.core_type = #tpu.core_type<tc>, window_params = [{transform_indices = @transform_0, window_bounds = array<i64: 2, 16, 1, 2048>}, {transform_indices = @transform_1, window_bounds = array<i64: 2048, 128>}, {pipeline_mode = #tpu.pipeline_mode<synchronous>, transform_indices = @transform_2, window_bounds = array<i64: 128, 128>}, {transform_indices = @transform_3, window_bounds = array<i64: 128, 2048>}]} {
    %get3A = arith.constant 0 : index
    %get3A_0 = arith.constant 0 : index
    %get3A_1 = arith.constant 0 : index
    %get3A_2 = arith.constant 0 : index
    %get3A_3 = vector.load %arg1[%get3A, %get3A_0, %get3A_1, %get3A_2] : memref<2x16x1x2048xf32, #tpu.memory_space<vmem>>, vector<2x16x1x2048xf32>
    %reduce_sum3A = arith.constant dense<0.000000e+00> : vector<1x2048xf32>
    %reduce_sum3A_4 = vector.multi_reduction <add>, %get3A_3, %reduce_sum3A [0, 1] : vector<2x16x1x2048xf32> to vector<1x2048xf32>
    %add3A = arith.constant 1.000000e+00 : f32
    %add3A_5 = vector.broadcast %add3A : f32 to vector<1x2048xf32>
    %add3A_6 = arith.addf %reduce_sum3A_4, %add3A_5 : vector<1x2048xf32>
    %rsqrt3A = math.rsqrt %add3A_6 : vector<1x2048xf32>
    %get3A_7 = arith.constant 0 : index
    %get3A_8 = arith.constant 0 : index
    %get3A_9 = vector.load %arg3[%get3A_7, %get3A_8] : memref<128x128xf32, #tpu.memory_space<vmem>>, vector<128x128xf32>
    %get3A_10 = arith.constant 0 : index
    %get3A_11 = arith.constant 0 : index
    %get3A_12 = vector.load %arg2[%get3A_10, %get3A_11] : memref<2048x128xf32, #tpu.memory_space<vmem>>, vector<2048x128xf32>
    %dot_general3A = arith.constant dense<0.000000e+00> : vector<128x2048xf32>
    %dot_general3A_13 = tpu.matmul %get3A_9, %get3A_12, %dot_general3A {dimension_numbers = #tpu.dot_dimension_numbers<[0], [1], [1], [0], [0, 1, 1, 0], [], []>, transpose_lhs_hint = false} : vector<128x128xf32>, vector<2048x128xf32>, vector<128x2048xf32> -> vector<128x2048xf32>
    %mul3A = vector.broadcast %rsqrt3A : vector<1x2048xf32> to vector<128x2048xf32>
    %mul3A_14 = arith.mulf %dot_general3A_13, %mul3A : vector<128x2048xf32>
    %swap3A = arith.constant 0 : index
    %swap3A_15 = arith.constant 0 : index
    %swap3A_16 = vector.load %arg4[%swap3A, %swap3A_15] : memref<128x2048xf32, #tpu.memory_space<vmem>>, vector<128x2048xf32>
    tpu.vector_store %arg4[%swap3A, %swap3A_15], %mul3A_14 {strides = array<i32>} : memref<128x2048xf32, #tpu.memory_space<vmem>>, vector<128x2048xf32>,
    return
  }
  func.func @transform_0(%arg0: i32) -> (i32, i32, i32, i32) {
    %c0_i32 = arith.constant 0 : i32
    %c0_i32_0 = arith.constant 0 : i32
    %c0_i32_1 = arith.constant 0 : i32
    %c0_i32_2 = arith.constant 0 : i32
    return %c0_i32, %c0_i32_0, %c0_i32_1, %arg0 : i32, i32, i32, i32
  }
  func.func @transform_1(%arg0: i32) -> (i32, i32) {
    %c0_i32 = arith.constant 0 : i32
    %c0_i32_0 = arith.constant 0 : i32
    return %arg0, %c0_i32 : i32, i32
  }
  func.func @transform_2(%arg0: i32) -> (i32, i32) {
    %c0_i32 = arith.constant 0 : i32
    %c0_i32_0 = arith.constant 0 : i32
    %c0_i32_1 = arith.constant 0 : i32
    return %c0_i32, %c0_i32_0 : i32, i32
  }
  func.func @transform_3(%arg0: i32) -> (i32, i32) {
    %c0_i32 = arith.constant 0 : i32
    %c0_i32_0 = arith.constant 0 : i32
    return %c0_i32, %arg0 : i32, i32
  }
}

module attributes {stable_mosaic.version = 14 : i64} {
  func.func @_tc_head_body(%arg0: i32, %arg1: memref<2x16x1x2048xf32, #tpu.memory_space<vmem>>, %arg2: memref<128x2048xf32, #tpu.memory_space<vmem>>, %arg3: memref<128x2048xf32, #tpu.memory_space<vmem>>, %arg4: memref<128x1xf32, #tpu.memory_space<vmem>>, %arg5: memref<128x64xf32, #tpu.memory_space<vmem>>, %arg6: memref<1x64xf32, #tpu.memory_space<vmem>>, %arg7: memref<2048x64xf32, #tpu.memory_space<vmem>>) attributes {dimension_semantics = [#tpu.dimension_semantics<arbitrary>], iteration_bounds = array<i64: 5>, scalar_prefetch = 0 : i64, scratch_operands = 0 : i64, tpu.core_type = #tpu.core_type<tc>, window_params = [{transform_indices = @transform_0, window_bounds = array<i64: 2, 16, 1, 2048>}, {transform_indices = @transform_1, window_bounds = array<i64: 128, 2048>}, {transform_indices = @transform_2, window_bounds = array<i64: 128, 2048>}, {pipeline_mode = #tpu.pipeline_mode<synchronous>, transform_indices = @transform_3, window_bounds = array<i64: 128, 1>}, {pipeline_mode = #tpu.pipeline_mode<synchronous>, transform_indices = @transform_4, window_bounds = array<i64: 128, 64>}, {pipeline_mode = #tpu.pipeline_mode<synchronous>, transform_indices = @transform_5, window_bounds = array<i64: 1, 64>}, {transform_indices = @transform_6, window_bounds = array<i64: 2048, 64>}]} {
    %get3A = arith.constant 0 : index
    %get3A_0 = arith.constant 0 : index
    %get3A_1 = arith.constant 0 : index
    %get3A_2 = arith.constant 0 : index
    %get3A_3 = vector.load %arg1[%get3A, %get3A_0, %get3A_1, %get3A_2] : memref<2x16x1x2048xf32, #tpu.memory_space<vmem>>, vector<2x16x1x2048xf32>
    %reduce_sum3A = arith.constant dense<0.000000e+00> : vector<1x2048xf32>
    %reduce_sum3A_4 = vector.multi_reduction <add>, %get3A_3, %reduce_sum3A [0, 1] : vector<2x16x1x2048xf32> to vector<1x2048xf32>
    %add3A = arith.constant 1.000000e+00 : f32
    %add3A_5 = vector.broadcast %add3A : f32 to vector<1x2048xf32>
    %add3A_6 = arith.addf %reduce_sum3A_4, %add3A_5 : vector<1x2048xf32>
    %rsqrt3A = math.rsqrt %add3A_6 : vector<1x2048xf32>
    %get3A_7 = arith.constant 0 : index
    %get3A_8 = arith.constant 0 : index
    %get3A_9 = vector.load %arg2[%get3A_7, %get3A_8] : memref<128x2048xf32, #tpu.memory_space<vmem>>, vector<128x2048xf32>
    %get3A_10 = arith.constant 0 : index
    %get3A_11 = arith.constant 0 : index
    %get3A_12 = vector.load %arg3[%get3A_10, %get3A_11] : memref<128x2048xf32, #tpu.memory_space<vmem>>, vector<128x2048xf32>
    %add3A_13 = arith.addf %get3A_9, %get3A_12 : vector<128x2048xf32>
    %mul3A = vector.broadcast %rsqrt3A : vector<1x2048xf32> to vector<128x2048xf32>
    %mul3A_14 = arith.mulf %add3A_13, %mul3A : vector<128x2048xf32>
    %get3A_15 = arith.constant 0 : index
    %get3A_16 = arith.constant 0 : index
    %get3A_17 = vector.load %arg4[%get3A_15, %get3A_16] : memref<128x1xf32, #tpu.memory_space<vmem>>, vector<128x1xf32>
    %add3A_18 = vector.broadcast %get3A_17 : vector<128x1xf32> to vector<128x2048xf32>
    %add3A_19 = arith.addf %mul3A_14, %add3A_18 : vector<128x2048xf32>
    %max3A = arith.constant 0.000000e+00 : f32
    %max3A_20 = vector.broadcast %max3A : f32 to vector<128x2048xf32>
    %max3A_21 = arith.maximumf %add3A_19, %max3A_20 : vector<128x2048xf32>
    %get3A_22 = arith.constant 0 : index
    %get3A_23 = arith.constant 0 : index
    %get3A_24 = vector.load %arg5[%get3A_22, %get3A_23] : memref<128x64xf32, #tpu.memory_space<vmem>>, vector<128x64xf32>
    %dot_general3A = arith.constant dense<0.000000e+00> : vector<2048x64xf32>
    %dot_general3A_25 = tpu.matmul %max3A_21, %get3A_24, %dot_general3A {dimension_numbers = #tpu.dot_dimension_numbers<[0], [0], [1], [1], [0, 1, 1, 1], [], []>, transpose_lhs_hint = false} : vector<128x2048xf32>, vector<128x64xf32>, vector<2048x64xf32> -> vector<2048x64xf32>
    %get3A_26 = arith.constant 0 : index
    %get3A_27 = arith.constant 0 : index
    %get3A_28 = vector.load %arg6[%get3A_26, %get3A_27] : memref<1x64xf32, #tpu.memory_space<vmem>>, vector<1x64xf32>
    %add3A_29 = vector.broadcast %get3A_28 : vector<1x64xf32> to vector<2048x64xf32>
    %add3A_30 = arith.addf %dot_general3A_25, %add3A_29 : vector<2048x64xf32>
    %swap3A = arith.constant 0 : index
    %swap3A_31 = arith.constant 0 : index
    %swap3A_32 = vector.load %arg7[%swap3A, %swap3A_31] : memref<2048x64xf32, #tpu.memory_space<vmem>>, vector<2048x64xf32>
    tpu.vector_store %arg7[%swap3A, %swap3A_31], %add3A_30 {strides = array<i32>} : memref<2048x64xf32, #tpu.memory_space<vmem>>, vector<2048x64xf32>,
    return
  }
  func.func @transform_0(%arg0: i32) -> (i32, i32, i32, i32) {
    %c0_i32 = arith.constant 0 : i32
    %c0_i32_0 = arith.constant 0 : i32
    %c0_i32_1 = arith.constant 0 : i32
    %c0_i32_2 = arith.constant 0 : i32
    return %c0_i32, %c0_i32_0, %c0_i32_1, %arg0 : i32, i32, i32, i32
  }
  func.func @transform_1(%arg0: i32) -> (i32, i32) {
    %c0_i32 = arith.constant 0 : i32
    %c0_i32_0 = arith.constant 0 : i32
    return %c0_i32, %arg0 : i32, i32
  }
  func.func @transform_2(%arg0: i32) -> (i32, i32) {
    %c0_i32 = arith.constant 0 : i32
    %c0_i32_0 = arith.constant 0 : i32
    return %c0_i32, %arg0 : i32, i32
  }
  func.func @transform_3(%arg0: i32) -> (i32, i32) {
    %c0_i32 = arith.constant 0 : i32
    %c0_i32_0 = arith.constant 0 : i32
    %c0_i32_1 = arith.constant 0 : i32
    return %c0_i32, %c0_i32_0 : i32, i32
  }
  func.func @transform_4(%arg0: i32) -> (i32, i32) {
    %c0_i32 = arith.constant 0 : i32
    %c0_i32_0 = arith.constant 0 : i32
    %c0_i32_1 = arith.constant 0 : i32
    return %c0_i32, %c0_i32_0 : i32, i32
  }
  func.func @transform_5(%arg0: i32) -> (i32, i32) {
    %c0_i32 = arith.constant 0 : i32
    %c0_i32_0 = arith.constant 0 : i32
    %c0_i32_1 = arith.constant 0 : i32
    return %c0_i32, %c0_i32_0 : i32, i32
  }
  func.func @transform_6(%arg0: i32) -> (i32, i32) {
    %c0_i32 = arith.constant 0 : i32
    %c0_i32_0 = arith.constant 0 : i32
    return %arg0, %c0_i32 : i32, i32
  }
}

</mosaic_0001>

<sc_bundles>
// kernel: kernel.6.cloned.1.call-start
scs
__scs_entry_jumppad:
0x0: {  	(pc) =	sbr.rel $0x88, $3  }
0x1: {  	(tag) =	ssettag $0x0;
	lr =	simm.s32 $0x1  }
0x2: {  	[smem:$0x3F9B] =	sst lr;
	_ =	strace $0xD0000000  }
0x3: {  	_ = 	snop  }
0x4: {  	_ = 	snop  }
0x5: {  	_ = 	snop  }
0x6: {  	_ = 	snop  }
0x7: {  	_ = 	snop  }
__scs_overlays_trampoline_lowered:
0x8: {  	[smem:$0x3FAA] =	sst s0  }
0x9: {  	[smem:$0x3FAB] =	sst s1  }
0xa: {  	[smem:$0x3FAC] =	sst s2  }
0xb: {  	[smem:$0x3FAD] =	sst s3  }
0xc: {  	[smem:$0x3FAE] =	sst s4  }
0xd: {  	[smem:$0x3FAF] =	sst s5  }
0xe: {  	[smem:$0x3FB0] =	sst s6  }
0xf: {  	[smem:$0x3FB1] =	sst s7  }
0x10: {  	[smem:$0x3FB2] =	sst s8  }
0x11: {  	[smem:$0x3FB3] =	sst s9;
	s0 =	simm.s32 @!p0 $0x0  }
0x12: {  	s1 =	sld [smem:$0x3F99];
	s0 =	simm.s32 @p0 $0x1  }
0x13: {  	[smem:$0x3FB4] =	sst s0;
	s0 =	simm.s32 @!p1 $0x0  }
0x14: {  	s2 =	sld [smem:$0x3F98];
	s0 =	simm.s32 @p1 $0x1  }
0x15: {  	[smem:$0x3FB5] =	sst s0;
	s0 =	simm.s32 @!p2 $0x0  }
0x16: {  	s3 =	sld [smem:$0x3FDB];
	s0 =	simm.s32 @p2 $0x1  }
0x17: {  	s4 =	simm.s32 $0x1BF5;
	[smem:$0x3FB7] =	sst s0  }
0x18: {  	s0 =	sld [smem:$0x3F9A];
	_ =	swait.ge [sflag:s4], $0x0  }
0x19: {  	s7 =	sld [smem:$0x3F9B]  }
0x1a: {  	s8 =	sadd.s32 $0xFFFFE003, lr  }
0x1b: {  	s9 =	sadd.s32 $0xFFFFFEF7, lr;
	s5 =	simm.s32 $0xFFFFFFFF;
	p2 =	slt.u32 s8, $0xFFFFF086  }
0x1c: {  	p1 =	slt.u32 s9, $0xF7A;
	s5 =	simm.s32 @!p2 $0x0  }
0x1d: {  	s5 =	simm.s32 @p1 $0x1;
	p0 =	seq.s32 s7, s2  }
0x1e: {  	s7 =	smul.u32 @!p0 $0xF7A, s2;
	p2 =	seq.s32 @!p0 s5, $0x0  }
0x1f: {  	s9 =	smul.u32 $0xF7A, s1;
	s8 =	simm.s32 @!p0 $0x1BF5;
	p2 =	por !p2, p0  }
0x20: {  	[sflag:s8] =	ssyncset.s32 @!p0 $0xFFFFF086;
	s6 =	sadd.s32 @!p0 s3, s7;
	s7 =	simm.s32 @!p0 $0x108  }
0x21: {  	s3 =	sadd.s32 s3, s9;
	s6 =	sadd.s32 @!p0 $0x88, s6;
	s7 =	simm.s32 @p2 $0x1082  }
0x22: {  	[simem:s7], [sflag:s8] =	dma.local @!p0 [hbm:s6], $0xF7A  }
0x23: {  	s9 =	sor.u32 $0xD0000000, s2;
	s6 =	simm.s32 $0x108;
	_ =	swait.ge @!p0 [sflag:s8], $0x0  }
0x24: {  	s3 =	sadd.s32 $0x88, s3;
	s6 =	simm.s32 @!p1 $0x1082;
	[sflag:s4] =	ssyncset.s32 $0xFFFFF086  }
0x25: {  	[simem:s6], [sflag:s4] =	dma.local [hbm:s3], $0xF7A  }
0x26: {  	[smem:$0x3F9B] =	sst s1;
	(tag) =	ssettag s2;
	_ =	strace s9  }
0x27: {  	s1 =	sld [smem:$0x3FAB]  }
0x28: {  	s2 =	sld [smem:$0x3FAC]  }
0x29: {  	s4 =	sld [smem:$0x3FAE]  }
0x2a: {  	p0 =	seq.s32 s5, $0x0;
	s5 =	sld [smem:$0x3FAF]  }
0x2b: {  	s6 =	sld [smem:$0x3FB0]  }
0x2c: {  	s7 =	sld [smem:$0x3FB1]  }
0x2d: {  	s3 =	simm.s32 $0x108;
	s8 =	sld [smem:$0x3FB2]  }
0x2e: {  	s3 =	simm.s32 @!p0 $0x1082;
	s9 =	sld [smem:$0x3FB3]  }
0x2f: {  	lr =	sadd.s32 s0, s3;
	s0 =	sld [smem:$0x3FAA]  }
0x30: {  	s3 =	sld [smem:$0x3FAD]  }
0x31: {  	[smem:$0x3FB6] =	sst s10  }
0x32: {  	s10 =	sld [smem:$0x3FB4];
	_ =	sdelay $0x3  }
0x33: {  	p0 =	seq.s32 s10, $0x1;
	s10 =	sld [smem:$0x3FB6];
	_ =	sdelay $0x3  }
0x34: {  	[smem:$0x3FB6] =	sst s10  }
0x35: {  	s10 =	sld [smem:$0x3FB5];
	_ =	sdelay $0x3  }
0x36: {  	p1 =	seq.s32 s10, $0x1;
	s10 =	sld [smem:$0x3FB6];
	_ =	sdelay $0x3  }
0x37: {  	[smem:$0x3FB6] =	sst s10  }
0x38: {  	s10 =	sld [smem:$0x3FB7]  }
0x39: {  	_ = 	snop;
	(pc) =	sbr.ind lr, $3  }
0x3a: {  	_ = 	snop  }
0x3b: {  	_ = 	snop  }
0x3c: {  	p2 =	seq.s32 s10, $0x1;
	s10 =	sld [smem:$0x3FB6]  }
0x3d: {  	_ =	shalt  }
0x3e: {  	_ =	shalt  }
0x3f: {  	_ =	shalt  }
0x40: {  	_ =	shalt  }
0x41: {  	_ =	shalt  }
0x42: {  	_ =	shalt  }
0x43: {  	_ =	shalt  }
0x44: {  	_ =	shalt  }
0x45: {  	_ =	shalt  }
0x46: {  	_ =	shalt  }
0x47: {  	_ =	shalt  }
0x48: {  	_ =	shalt  }
0x49: {  	_ =	shalt  }
0x4a: {  	_ =	shalt  }
0x4b: {  	_ =	shalt  }
0x4c: {  	_ =	shalt  }
0x4d: {  	_ =	shalt  }
0x4e: {  	_ =	shalt  }
0x4f: {  	_ =	shalt  }
0x50: {  	_ =	shalt  }
0x51: {  	_ =	shalt  }
0x52: {  	_ =	shalt  }
0x53: {  	_ =	shalt  }
0x54: {  	_ =	shalt  }
0x55: {  	_ =	shalt  }
0x56: {  	_ =	shalt  }
0x57: {  	_ =	shalt  }
0x58: {  	_ =	shalt  }
0x59: {  	_ =	shalt  }
0x5a: {  	_ =	shalt  }
0x5b: {  	_ =	shalt  }
0x5c: {  	_ =	shalt  }
0x5d: {  	_ =	shalt  }
0x5e: {  	_ =	shalt  }
0x5f: {  	_ =	shalt  }
0x60: {  	_ =	shalt  }
0x61: {  	_ =	shalt  }
0x62: {  	_ =	shalt  }
0x63: {  	_ =	shalt  }
0x64: {  	_ =	shalt  }
0x65: {  	_ =	shalt  }
0x66: {  	_ =	shalt  }
0x67: {  	_ =	shalt  }
0x68: {  	_ =	shalt  }
0x69: {  	_ =	shalt  }
0x6a: {  	_ =	shalt  }
0x6b: {  	_ =	shalt  }
0x6c: {  	_ =	shalt  }
0x6d: {  	_ =	shalt  }
0x6e: {  	_ =	shalt  }
0x6f: {  	_ =	shalt  }
0x70: {  	_ =	shalt  }
0x71: {  	_ =	shalt  }
0x72: {  	_ =	shalt  }
0x73: {  	_ =	shalt  }
0x74: {  	_ =	shalt  }
0x75: {  	_ =	shalt  }
0x76: {  	_ =	shalt  }
0x77: {  	_ =	shalt  }
0x78: {  	_ =	shalt  }
0x79: {  	_ =	shalt  }
0x7a: {  	_ =	shalt  }
0x7b: {  	_ =	shalt  }
0x7c: {  	_ =	shalt  }
0x7d: {  	_ =	shalt  }
0x7e: {  	_ =	shalt  }
0x7f: {  	_ =	shalt  }
0x80: {  	_ =	shalt  }
0x81: {  	_ =	shalt  }
0x82: {  	_ =	shalt  }
0x83: {  	_ =	shalt  }
0x84: {  	_ =	shalt  }
0x85: {  	_ =	shalt  }
0x86: {  	_ =	shalt  }
0x87: {  	_ =	shalt  }
.Lfunc_end0:
.L_simem_size_0:
called_computation_lowered:
.L_overlay_start_0:
0x88: {  	s2 =	sld [smem:$0x3FD9]  }
0x89: {  	s3 =	sld [smem:$0x3FFE];
	_ =	sdelay $0x1  }
0x8a: {  	s1 =	srdreg.scid  }
0x8b: {  	s0 =	sand.u32 $0x1, s1  }
0x8c: {  	s17 =	sshll.u32 s0, $0xA;
	s2 =	sadd.s32 s3, s2  }
0x8d: {  	s2 =	sadd.s32 s2, s17  }
0x8e: {  	[smem:$0x3FC2] =	sst s2  }
0x8f: {  	_ = 	snop  }
0x90: {  	s2 =	sld [smem:$0x3FD0];
	(tm) =	ssettm $0x1  }
0x91: {  	s18 =	sld [smem:$0x3FFB];
	_ =	sdelay $0x3  }
0x92: {  	_ =	strace s18  }
0x93: {  	s3 =	sld [smem:$0x3FFC];
	_ =	sdelay $0x3  }
0x94: {  	_ =	strace s3  }
0x95: {  	s3 =	sld [smem:$0x3FFD];
	_ =	sdelay $0x3  }
0x96: {  	_ =	strace s3  }
0x97: {  	_ =	strace $0x8FFFFFFF  }
0x98: {  	s19 =	sld [smem:$0x3FDB];
	_ =	sdelay $0x1  }
0x99: {  	s4 =	simm.s32 $_scs_section_size  }
0x9a: {  	s5 =	simm.s32 $_size__tile_overlayer_lowered;
	s6 =	simm.s32 $_tile_overlayer_lowered  }
0x9b: {  	s22 =	simm.s32 $0x1BFF;
	s21 =	sshll.u32 s6, $0x1;
	s3 =	sadd.s32 s4, s19  }
0x9c: {  	s7 =	simm.s32 $0x0;
	s20 =	sshll.u32 s5, $0x1;
	s5 =	sadd.s32 s21, s3  }
0x9d: {  	[timem:s7], [sflag:s22] =	dma.local [hbm:s5], s20  }
0x9e: {  	_ =	swait.ge [sflag:s22], s20  }
0x9f: {  	s4 =	ssub.s32 $0x0, s20;
	[sflag:s22] =	ssyncset.done $0x0  }
0xa0: {  	[sflag:s22] =	ssyncadd.s32 s4;
	_ =	sdelay $0x1  }
0xa1: {  	s23 =	simm.s32 $0x1B8B  }
0xa2: {  	_ =	swait.ge [sflag:s23], $0x1  }
0xa3: {  	[sflag:s23] =	ssyncset.done $0x0  }
0xa4: {  	s25 =	simm.s32 $0x1B8E;
	s24 =	sld [smem:$0x3FFE];
	[sflag:s23] =	ssyncadd.s32 $0xFFFFFFFF  }
0xa5: {  	s26 =	simm.s32 $execute0_lowered;
	[smem:$0x3FD2] =	sst s25  }
0xa6: {  	s5 =	sshll.u32 s26, $0x1;
	_ =	strace $0x80000046;
	[dreg:$0x1] =	wrdreg $0xFFFFFFFF  }
0xa7: {  	s28 =	simm.s32 $_size_execute0_lowered;
	s3 =	sadd.s32 s3, s5;
	[dreg:$0x0] =	wrdreg $0x0  }
0xa8: {  	s5 =	sshll.u32 s28, $0x1;
	[dreg:$0x2] =	wrdreg s3  }
0xa9: {  	[dreg:$0x3] =	wrdreg s5  }
0xaa: {  	[dreg:$0x4] =	wrdreg $0xC0  }
0xab: {  	_ =	task [dreg:s7], $0x5FFFF  }
0xac: {  	[dreg:$0x1] =	wrdreg $0xFFFFFFFF  }
0xad: {  	[dreg:$0x0] =	wrdreg $0x60  }
0xae: {  	[dreg:$0x2] =	wrdreg s2  }
0xaf: {  	[dreg:$0x3] =	wrdreg s24  }
0xb0: {  	[dreg:$0x4] =	wrdreg $0x9  }
0xb1: {  	_ =	task.clear_ibuf [dreg:s7], $0x5FFFF;
	_ =	strace $0x90000046  }
0xb2: {  	s29 =	simm.s32 $0x9;
	_ =	strace $0x80000048  }
0xb3: {  	_ =	swait.ge [sflag:s29], $0x1  }
0xb4: {  	[sflag:s29] =	ssyncadd.s32 $0xFFFFFFFF  }
0xb5: {  	_ =	strace $0x90000048  }
0xb6: {  	_ =	sfence  }
0xb7: {  	s30 =	sld [smem:$0x0];
	_ =	sdelay $0x2  }
0xb8: {  	s31 =	sshll.u32 s1, $0xD;
	s1 =	sshrl.u32 s1, $0x2  }
0xb9: {  	s3 =	sand.u32 $0x4000, s31;
	s1 =	sadd.s32 s1, s30  }
0xba: {  	s0 =	sor.u32 s3, s0;
	s1 =	sshll.u32 s1, $0x11  }
0xbb: {  	s0 =	sor.u32 s1, s0  }
0xbc: {  	s0 =	sadd.s32 $0x8F2B, s0  }
0xbd: {  	[sflag:s0] =	ssyncadd.remote.s32 $0x1  }
0xbe: {  	_ =	sfence.sel $0xFFFF  }
0xbf: {  	[dreg:$0x0] =	wrdreg $0xFFFFFFFF;
	(pc) =	sbr.abs _section_cstart, $3  }
0xc0: {  	[dreg:$0x1] =	wrdreg $0xFFFFFFFF  }
0xc1: {  	_ =	task.clear_ibuf [dreg:s7], $0x2FFFF;
	_ =	strace $0x9FFFFFFF  }
0xc2: {  	(tm) =	ssettm $0x7FFFFFFF  }
0xc3: {  	_ =	shalt  }
tec
execute0_lowered:
.L_overlay_start_1:
0x0: {  	(tag) =	ssettag $0x1  }
0x1: {  	s2 =	rddreg [dreg:$0x0];
	s0 =	srdreg.scid  }
0x2: {  	s4 =	rddreg [dreg:$0x1];
	s1 =	stileid.u32  }
0x3: {  	s3 =	simm.s32 $0x0;
	s5 =	sand.u32 $0x1, s0;
	s7 =	smul.u32 $0x2800, s1  }
0x4: {  	s9 =	simm.s32 $0x0;
	[smem:$0x7FF] =	sst s3;
	s6 =	smul.u32 $0x28000, s5  }
0x5: {  	s0 =	rddreg [dreg:$0x2];
	_ =	strace $0x80000047;
	s30 =	ssub.s32 $0x2, s5  }
0x6: {  	s5 =	sshll.u32 s5, $0x4;
	s8 =	sshrl.u32 s30, $0x1;
	s6 =	sadd.s32 s7, s6  }
0x7: {  	s31 =	sor.u32 s1, s5;
	s7 =	ssub.s32 s30, s8;
	s6 =	sshrl.u32 s6, $0x3  }
0x8: {  	s8 =	simm.s32 $0x1;
	s6 =	sadd.s32 s6, s4;
	s4 =	smul.u32 $0x5, s31  }
0x9: {  	v0 =	vimm.f32 $0.0e+00;
	v1 =	vimm.f32 $1.000000000e+00;
	s5 =	sadd.s32 $0x1200, s6;
	s6 =	smax.u32 s7, $0x1;
	s7 =	simm.s32 $0x2800  }
.LBB2_1:
0xa: {  	s10 =	simm.s32 $0x0;
	s11 =	simm.s32 $0x200  }
.LBB2_2:
0xb: {  	p0 =	sne.s32 s11, $0x9E00;
	[tilespmem:s10+$0x70] =	vst v0  }
0xc: {  	[tilespmem:s10+$0x0] =	vst v0  }
0xd: {  	[tilespmem:s10+$0x10] =	vst v0  }
.Ltmp0:
0xe: {  	[tilespmem:s10+$0x20] =	vst v0;
	(pc) =	sbr.rel @p0 .LBB2_2-.Ltmp0, $4  }
0xf: {  	[tilespmem:s10+$0x30] =	vst v0  }
0x10: {  	[tilespmem:s10+$0x40] =	vst v0  }
0x11: {  	[tilespmem:s10+$0x50] =	vst v0  }
0x12: {  	[tilespmem:s10+$0x60] =	vst v0;
	s10 =	sshra.s32 s11, $0x2;
	s11 =	sadd.s32 $0x200, s11  }
0x13: {  	[tilespmem:s10+$0x70] =	vst v0  }
0x14: {  	[tilespmem:s10+$0x0] =	vst v0  }
0x15: {  	[tilespmem:s10+$0x10] =	vst v0  }
0x16: {  	[tilespmem:s10+$0x20] =	vst v0  }
0x17: {  	[tilespmem:s10+$0x30] =	vst v0  }
0x18: {  	[tilespmem:s10+$0x40] =	vst v0  }
0x19: {  	[tilespmem:s10+$0x50] =	vst v0  }
0x1a: {  	[tilespmem:s10+$0x60] =	vst v0;
	s10 =	simm.s32 $0x0  }
.LBB2_4:
0x1b: {  	s11 =	sadd.s32 s4, s10  }
0x1c: {  	s11 =	sshll.u32 s11, $0x8  }
0x1d: {  	s11 =	sadd.s32 s2, s11  }
0x1e: {  	[tilespmem:s7], [sflag:$0x1] =	stream.linear.gather [hbm4b:s11+s3], $0x800, $0x38;
	[tilespmem:$0x3000] =	vst v63  }
0x1f: {  	_ =	swait.ge [sflag:s8], $0x800  }
0x20: {  	[sflag:s8] =	ssyncset.done $0x0  }
0x21: {  	s31 =	simm.s32 $0x2840;
	[sflag:s8] =	ssyncadd.s32 $0xFFFFF800  }
0x22: {  	v2 =	vld [tilespmem:s31+$0x30]  }
0x23: {  	v3 =	vld [tilespmem:s31+$0xFFFFFFD0]  }
0x24: {  	v4 =	vld [tilespmem:s31+$0xFFFFFFE0]  }
0x25: {  	v5 =	vld [tilespmem:s31+$0xFFFFFFF0]  }
0x26: {  	v6 =	vld [tilespmem:s31+$0x0]  }
0x27: {  	v7 =	vld [tilespmem:s31+$0x10];
	v2 =	vand.u32 $0xFFFF, v2  }
0x28: {  	v3 =	vand.u32 $0xFFFF, v3  }
0x29: {  	v4 =	vand.u32 $0xFFFF, v4  }
0x2a: {  	v8 =	vld [tilespmem:s31+$0x20];
	v5 =	vand.u32 $0xFFFF, v5  }
0x2b: {  	v9 =	vld [tilespmem:s31+$0xFFFFFFC0];
	v6 =	vand.u32 $0xFFFF, v6  }
0x2c: {  	v7 =	vand.u32 $0xFFFF, v7;
	[tilespmem:v2+s3+$0x0] =	vst.idx.add.f32.msk $0xffff, v1  }
0x2d: {  	[tilespmem:v3+s3+$0x0] =	vst.idx.add.f32.msk $0xffff, v1  }
0x2e: {  	[tilespmem:v4+s3+$0x0] =	vst.idx.add.f32.msk $0xffff, v1  }
0x2f: {  	[tilespmem:v5+s3+$0x0] =	vst.idx.add.f32.msk $0xffff, v1  }
0x30: {  	[tilespmem:v6+s3+$0x0] =	vst.idx.add.f32.msk $0xffff, v1  }
0x31: {  	s12 =	simm.s32 $0x28C0;
	s11 =	simm.s32 $0x0;
	v2 =	vand.u32 $0xFFFF, v8;
	v3 =	vand.u32 $0xFFFF, v9;
	[tilespmem:v7+s3+$0x0] =	vst.idx.add.f32.msk $0xffff, v1  }
.LBB2_5:
0x32: {  	v4 =	vld [tilespmem:s12+$0x30];
	s11 =	sadd.s32 $0x8, s11  }
0x33: {  	v5 =	vld [tilespmem:s12+$0xFFFFFFD0];
	p0 =	slt.u32 s11, $0x78  }
0x34: {  	v6 =	vld [tilespmem:s12+$0xFFFFFFE0]  }
0x35: {  	v7 =	vld [tilespmem:s12+$0xFFFFFFF0]  }
0x36: {  	v8 =	vld [tilespmem:s12+$0x0]  }
0x37: {  	v9 =	vld [tilespmem:s12+$0x10];
	v4 =	vand.u32 $0xFFFF, v4  }
0x38: {  	v5 =	vand.u32 $0xFFFF, v5;
	v10 =	vld [tilespmem:s12+$0x20]  }
0x39: {  	v11 =	vld [tilespmem:s12+$0xFFFFFFC0];
	v6 =	vand.u32 $0xFFFF, v6  }
0x3a: {  	v7 =	vand.u32 $0xFFFF, v7;
	[tilespmem:v3+s3+$0x0] =	vst.idx.add.f32.msk $0xffff, v1  }
0x3b: {  	v8 =	vand.u32 $0xFFFF, v8;
	[tilespmem:v2+s3+$0x0] =	vst.idx.add.f32.msk $0xffff, v1  }
0x3c: {  	v9 =	vand.u32 $0xFFFF, v9;
	[tilespmem:v4+s3+$0x0] =	vst.idx.add.f32.msk $0xffff, v1  }
.Ltmp1:
0x3d: {  	[tilespmem:v5+s3+$0x0] =	vst.idx.add.f32.msk $0xffff, v1;
	v2 =	vand.u32 $0xFFFF, v10;
	(pc) =	sbr.rel @p0 .LBB2_5-.Ltmp1, $4  }
0x3e: {  	v3 =	vand.u32 $0xFFFF, v11;
	[tilespmem:v6+s3+$0x0] =	vst.idx.add.f32.msk $0xffff, v1  }
0x3f: {  	[tilespmem:v7+s3+$0x0] =	vst.idx.add.f32.msk $0xffff, v1  }
0x40: {  	[tilespmem:v8+s3+$0x0] =	vst.idx.add.f32.msk $0xffff, v1  }
0x41: {  	s12 =	sadd.s32 $0x80, s12;
	[tilespmem:v9+s3+$0x0] =	vst.idx.add.f32.msk $0xffff, v1  }
0x42: {  	s10 =	sadd.s32 $0x1, s10  }
0x43: {  	p0 =	sne.s32 s10, $0x5  }
.Ltmp2:
0x44: {  	_ = 	snop;
	(pc) =	sbr.rel @p0 .LBB2_4-.Ltmp2, $3  }
0x45: {  	_ =	sdelay $0x1  }
0x46: {  	[tilespmem:v3+s3+$0x0] =	vst.idx.add.f32.msk $0xffff, v1  }
0x47: {  	[tilespmem:v2+s3+$0x0] =	vst.idx.add.f32.msk $0xffff, v1  }
0x48: {  	s9 =	sadd.s32 $0x1, s9  }
0x49: {  	p0 =	sne.s32 s9, s6  }
.Ltmp3:
0x4a: {  	_ = 	snop;
	(pc) =	sbr.rel @p0 .LBB2_1-.Ltmp3, $4  }
0x4b: {  	[hbm4b:s5+s3] =	stream.linear.scatter [tilespmem:s3], [sflag:$0x1], $0x2800, $0x38;
	[tilespmem:$0x3000] =	vst v63  }
0x4c: {  	_ =	swait.ge [sflag:s8], $0x2800  }
0x4d: {  	[sflag:s8] =	ssyncset.done $0x0  }
0x4e: {  	[sflag:s8] =	ssyncadd.s32 $0xFFFFD800  }
0x4f: {  	_ =	sfence.sel $0x180000  }
0x50: {  	[bflag:$0x0] =	sbarrier.arrive $0xFFFF  }
0x51: {  	p0 =	sne.s32 s1, $0x0;
	_ =	strace $0x90000047  }
0x52: {  	s0 =	sadd.s32 @!p0 $0x100000, s0;
	[bflag:$0x2] =	sbarrier.arrive $0xFFFF  }
0x53: {  	[sflag:s0] =	ssyncadd.tile.s32 @!p0 $0x1;
	_ =	shalt  }
.Lfunc_end2:
_tile_overlayer_lowered:
.L_overlay_start_2:
0x54: {  	(tag) =	ssettag $0x2  }
0x55: {  	s0 =	rddreg [dreg:$0x0];
	s2 =	stileid.u32  }
0x56: {  	s1 =	rddreg [dreg:$0x1];
	p0 =	sne.s32 s2, $0x0  }
0x57: {  	s3 =	rddreg [dreg:$0x2];
	[bflag:$0x3] =	sbarrier.arrive $0xFFFF;
	s2 =	simm.s32 @!p0 $0x1C01  }
0x58: {  	[timem:s3], [sflag:s2] =	dma.local @!p0 [hbm:s0], s1  }
0x59: {  	s0 =	simm.s32 @!p0 $0x1  }
0x5a: {  	_ =	swait.ge @!p0 [sflag:s0], s1  }
0x5b: {  	s1 =	ssub.s32 @!p0 $0x0, s1;
	[sflag:s0] =	ssyncset.done @!p0 $0x0  }
0x5c: {  	[sflag:s0] =	ssyncadd.s32 @!p0 s1  }
0x5d: {  	[bflag:$0x3] =	sbarrier.arrive $0xFFFF  }
0x5e: {  	_ =	shalt  }

// kernel: kernel.9.cloned.1.call-start
scs
__scs_entry_jumppad:
0x0: {  	(pc) =	sbr.rel $0x88, $3  }
0x1: {  	(tag) =	ssettag $0x0;
	lr =	simm.s32 $0x1  }
0x2: {  	[smem:$0x3F9B] =	sst lr;
	_ =	strace $0xD0000000  }
0x3: {  	_ = 	snop  }
0x4: {  	_ = 	snop  }
0x5: {  	_ = 	snop  }
0x6: {  	_ = 	snop  }
0x7: {  	_ = 	snop  }
__scs_overlays_trampoline_lowered:
0x8: {  	[smem:$0x3FAA] =	sst s0  }
0x9: {  	[smem:$0x3FAB] =	sst s1  }
0xa: {  	[smem:$0x3FAC] =	sst s2  }
0xb: {  	[smem:$0x3FAD] =	sst s3  }
0xc: {  	[smem:$0x3FAE] =	sst s4  }
0xd: {  	[smem:$0x3FAF] =	sst s5  }
0xe: {  	[smem:$0x3FB0] =	sst s6  }
0xf: {  	[smem:$0x3FB1] =	sst s7  }
0x10: {  	[smem:$0x3FB2] =	sst s8  }
0x11: {  	[smem:$0x3FB3] =	sst s9;
	s0 =	simm.s32 @!p0 $0x0  }
0x12: {  	s1 =	sld [smem:$0x3F99];
	s0 =	simm.s32 @p0 $0x1  }
0x13: {  	[smem:$0x3FB4] =	sst s0;
	s0 =	simm.s32 @!p1 $0x0  }
0x14: {  	s2 =	sld [smem:$0x3F98];
	s0 =	simm.s32 @p1 $0x1  }
0x15: {  	[smem:$0x3FB5] =	sst s0;
	s0 =	simm.s32 @!p2 $0x0  }
0x16: {  	s3 =	sld [smem:$0x3FDB];
	s0 =	simm.s32 @p2 $0x1  }
0x17: {  	s4 =	simm.s32 $0x1BF5;
	[smem:$0x3FB7] =	sst s0  }
0x18: {  	s0 =	sld [smem:$0x3F9A];
	_ =	swait.ge [sflag:s4], $0x0  }
0x19: {  	s7 =	sld [smem:$0x3F9B]  }
0x1a: {  	s8 =	sadd.s32 $0xFFFFE003, lr  }
0x1b: {  	s9 =	sadd.s32 $0xFFFFFEF7, lr;
	s5 =	simm.s32 $0xFFFFFFFF;
	p2 =	slt.u32 s8, $0xFFFFF086  }
0x1c: {  	p1 =	slt.u32 s9, $0xF7A;
	s5 =	simm.s32 @!p2 $0x0  }
0x1d: {  	s5 =	simm.s32 @p1 $0x1;
	p0 =	seq.s32 s7, s2  }
0x1e: {  	s7 =	smul.u32 @!p0 $0xF7A, s2;
	p2 =	seq.s32 @!p0 s5, $0x0  }
0x1f: {  	s9 =	smul.u32 $0xF7A, s1;
	s8 =	simm.s32 @!p0 $0x1BF5;
	p2 =	por !p2, p0  }
0x20: {  	[sflag:s8] =	ssyncset.s32 @!p0 $0xFFFFF086;
	s6 =	sadd.s32 @!p0 s3, s7;
	s7 =	simm.s32 @!p0 $0x108  }
0x21: {  	s3 =	sadd.s32 s3, s9;
	s6 =	sadd.s32 @!p0 $0x88, s6;
	s7 =	simm.s32 @p2 $0x1082  }
0x22: {  	[simem:s7], [sflag:s8] =	dma.local @!p0 [hbm:s6], $0xF7A  }
0x23: {  	s9 =	sor.u32 $0xD0000000, s2;
	s6 =	simm.s32 $0x108;
	_ =	swait.ge @!p0 [sflag:s8], $0x0  }
0x24: {  	s3 =	sadd.s32 $0x88, s3;
	s6 =	simm.s32 @!p1 $0x1082;
	[sflag:s4] =	ssyncset.s32 $0xFFFFF086  }
0x25: {  	[simem:s6], [sflag:s4] =	dma.local [hbm:s3], $0xF7A  }
0x26: {  	[smem:$0x3F9B] =	sst s1;
	(tag) =	ssettag s2;
	_ =	strace s9  }
0x27: {  	s1 =	sld [smem:$0x3FAB]  }
0x28: {  	s2 =	sld [smem:$0x3FAC]  }
0x29: {  	s4 =	sld [smem:$0x3FAE]  }
0x2a: {  	p0 =	seq.s32 s5, $0x0;
	s5 =	sld [smem:$0x3FAF]  }
0x2b: {  	s6 =	sld [smem:$0x3FB0]  }
0x2c: {  	s7 =	sld [smem:$0x3FB1]  }
0x2d: {  	s3 =	simm.s32 $0x108;
	s8 =	sld [smem:$0x3FB2]  }
0x2e: {  	s3 =	simm.s32 @!p0 $0x1082;
	s9 =	sld [smem:$0x3FB3]  }
0x2f: {  	lr =	sadd.s32 s0, s3;
	s0 =	sld [smem:$0x3FAA]  }
0x30: {  	s3 =	sld [smem:$0x3FAD]  }
0x31: {  	[smem:$0x3FB6] =	sst s10  }
0x32: {  	s10 =	sld [smem:$0x3FB4];
	_ =	sdelay $0x3  }
0x33: {  	p0 =	seq.s32 s10, $0x1;
	s10 =	sld [smem:$0x3FB6];
	_ =	sdelay $0x3  }
0x34: {  	[smem:$0x3FB6] =	sst s10  }
0x35: {  	s10 =	sld [smem:$0x3FB5];
	_ =	sdelay $0x3  }
0x36: {  	p1 =	seq.s32 s10, $0x1;
	s10 =	sld [smem:$0x3FB6];
	_ =	sdelay $0x3  }
0x37: {  	[smem:$0x3FB6] =	sst s10  }
0x38: {  	s10 =	sld [smem:$0x3FB7]  }
0x39: {  	_ = 	snop;
	(pc) =	sbr.ind lr, $3  }
0x3a: {  	_ = 	snop  }
0x3b: {  	_ = 	snop  }
0x3c: {  	p2 =	seq.s32 s10, $0x1;
	s10 =	sld [smem:$0x3FB6]  }
0x3d: {  	_ =	shalt  }
0x3e: {  	_ =	shalt  }
0x3f: {  	_ =	shalt  }
0x40: {  	_ =	shalt  }
0x41: {  	_ =	shalt  }
0x42: {  	_ =	shalt  }
0x43: {  	_ =	shalt  }
0x44: {  	_ =	shalt  }
0x45: {  	_ =	shalt  }
0x46: {  	_ =	shalt  }
0x47: {  	_ =	shalt  }
0x48: {  	_ =	shalt  }
0x49: {  	_ =	shalt  }
0x4a: {  	_ =	shalt  }
0x4b: {  	_ =	shalt  }
0x4c: {  	_ =	shalt  }
0x4d: {  	_ =	shalt  }
0x4e: {  	_ =	shalt  }
0x4f: {  	_ =	shalt  }
0x50: {  	_ =	shalt  }
0x51: {  	_ =	shalt  }
0x52: {  	_ =	shalt  }
0x53: {  	_ =	shalt  }
0x54: {  	_ =	shalt  }
0x55: {  	_ =	shalt  }
0x56: {  	_ =	shalt  }
0x57: {  	_ =	shalt  }
0x58: {  	_ =	shalt  }
0x59: {  	_ =	shalt  }
0x5a: {  	_ =	shalt  }
0x5b: {  	_ =	shalt  }
0x5c: {  	_ =	shalt  }
0x5d: {  	_ =	shalt  }
0x5e: {  	_ =	shalt  }
0x5f: {  	_ =	shalt  }
0x60: {  	_ =	shalt  }
0x61: {  	_ =	shalt  }
0x62: {  	_ =	shalt  }
0x63: {  	_ =	shalt  }
0x64: {  	_ =	shalt  }
0x65: {  	_ =	shalt  }
0x66: {  	_ =	shalt  }
0x67: {  	_ =	shalt  }
0x68: {  	_ =	shalt  }
0x69: {  	_ =	shalt  }
0x6a: {  	_ =	shalt  }
0x6b: {  	_ =	shalt  }
0x6c: {  	_ =	shalt  }
0x6d: {  	_ =	shalt  }
0x6e: {  	_ =	shalt  }
0x6f: {  	_ =	shalt  }
0x70: {  	_ =	shalt  }
0x71: {  	_ =	shalt  }
0x72: {  	_ =	shalt  }
0x73: {  	_ =	shalt  }
0x74: {  	_ =	shalt  }
0x75: {  	_ =	shalt  }
0x76: {  	_ =	shalt  }
0x77: {  	_ =	shalt  }
0x78: {  	_ =	shalt  }
0x79: {  	_ =	shalt  }
0x7a: {  	_ =	shalt  }
0x7b: {  	_ =	shalt  }
0x7c: {  	_ =	shalt  }
0x7d: {  	_ =	shalt  }
0x7e: {  	_ =	shalt  }
0x7f: {  	_ =	shalt  }
0x80: {  	_ =	shalt  }
0x81: {  	_ =	shalt  }
0x82: {  	_ =	shalt  }
0x83: {  	_ =	shalt  }
0x84: {  	_ =	shalt  }
0x85: {  	_ =	shalt  }
0x86: {  	_ =	shalt  }
0x87: {  	_ =	shalt  }
.Lfunc_end0:
.L_simem_size_0:
called_computation.1_lowered:
.L_overlay_start_0:
0x88: {  	s2 =	sld [smem:$0x3FD9]  }
0x89: {  	s3 =	sld [smem:$0x3FFE];
	_ =	sdelay $0x1  }
0x8a: {  	s1 =	srdreg.scid  }
0x8b: {  	s0 =	sand.u32 $0x1, s1  }
0x8c: {  	s17 =	sshll.u32 s0, $0xA;
	s2 =	sadd.s32 s3, s2  }
0x8d: {  	s2 =	sadd.s32 s2, s17  }
0x8e: {  	[smem:$0x3FC2] =	sst s2  }
0x8f: {  	_ = 	snop  }
0x90: {  	s2 =	sld [smem:$0x3FD0];
	(tm) =	ssettm $0x1  }
0x91: {  	s18 =	sld [smem:$0x3FFB];
	_ =	sdelay $0x3  }
0x92: {  	_ =	strace s18  }
0x93: {  	s3 =	sld [smem:$0x3FFC];
	_ =	sdelay $0x3  }
0x94: {  	_ =	strace s3  }
0x95: {  	s3 =	sld [smem:$0x3FFD];
	_ =	sdelay $0x3  }
0x96: {  	_ =	strace s3  }
0x97: {  	_ =	strace $0x8FFFFFFF  }
0x98: {  	s19 =	sld [smem:$0x3FDB];
	_ =	sdelay $0x1  }
0x99: {  	s4 =	simm.s32 $_scs_section_size  }
0x9a: {  	s5 =	simm.s32 $_size__tile_overlayer_lowered;
	s6 =	simm.s32 $_tile_overlayer_lowered  }
0x9b: {  	s22 =	simm.s32 $0x1BFF;
	s21 =	sshll.u32 s6, $0x1;
	s3 =	sadd.s32 s4, s19  }
0x9c: {  	s7 =	simm.s32 $0x0;
	s20 =	sshll.u32 s5, $0x1;
	s5 =	sadd.s32 s21, s3  }
0x9d: {  	[timem:s7], [sflag:s22] =	dma.local [hbm:s5], s20  }
0x9e: {  	_ =	swait.ge [sflag:s22], s20  }
0x9f: {  	s4 =	ssub.s32 $0x0, s20;
	[sflag:s22] =	ssyncset.done $0x0  }
0xa0: {  	[sflag:s22] =	ssyncadd.s32 s4;
	_ =	sdelay $0x1  }
0xa1: {  	s23 =	simm.s32 $0x1B8B  }
0xa2: {  	_ =	swait.ge [sflag:s23], $0x1  }
0xa3: {  	[sflag:s23] =	ssyncset.done $0x0  }
0xa4: {  	s25 =	simm.s32 $0x1B8E;
	s24 =	sld [smem:$0x3FFE];
	[sflag:s23] =	ssyncadd.s32 $0xFFFFFFFF  }
0xa5: {  	s26 =	simm.s32 $execute0_lowered;
	[smem:$0x3FD2] =	sst s25  }
0xa6: {  	s5 =	sshll.u32 s26, $0x1;
	_ =	strace $0x80000049;
	[dreg:$0x1] =	wrdreg $0xFFFFFFFF  }
0xa7: {  	s28 =	simm.s32 $_size_execute0_lowered;
	s3 =	sadd.s32 s3, s5;
	[dreg:$0x0] =	wrdreg $0x0  }
0xa8: {  	s5 =	sshll.u32 s28, $0x1;
	[dreg:$0x2] =	wrdreg s3  }
0xa9: {  	[dreg:$0x3] =	wrdreg s5  }
0xaa: {  	[dreg:$0x4] =	wrdreg $0xC0  }
0xab: {  	_ =	task [dreg:s7], $0x5FFFF  }
0xac: {  	[dreg:$0x1] =	wrdreg $0xFFFFFFFF  }
0xad: {  	[dreg:$0x0] =	wrdreg $0x60  }
0xae: {  	[dreg:$0x2] =	wrdreg s24  }
0xaf: {  	[dreg:$0x3] =	wrdreg s2  }
0xb0: {  	[dreg:$0x4] =	wrdreg $0x9  }
0xb1: {  	_ =	task.clear_ibuf [dreg:s7], $0x5FFFF;
	_ =	strace $0x90000049  }
0xb2: {  	s29 =	simm.s32 $0x9;
	_ =	strace $0x8000004B  }
0xb3: {  	_ =	swait.ge [sflag:s29], $0x1  }
0xb4: {  	[sflag:s29] =	ssyncadd.s32 $0xFFFFFFFF  }
0xb5: {  	_ =	strace $0x9000004B  }
0xb6: {  	_ =	sfence  }
0xb7: {  	s30 =	sld [smem:$0x0];
	_ =	sdelay $0x2  }
0xb8: {  	s31 =	sshll.u32 s1, $0xD;
	s1 =	sshrl.u32 s1, $0x2  }
0xb9: {  	s3 =	sand.u32 $0x4000, s31;
	s1 =	sadd.s32 s1, s30  }
0xba: {  	s0 =	sor.u32 s3, s0;
	s1 =	sshll.u32 s1, $0x11  }
0xbb: {  	s0 =	sor.u32 s1, s0  }
0xbc: {  	s0 =	sadd.s32 $0x8F2B, s0  }
0xbd: {  	[sflag:s0] =	ssyncadd.remote.s32 $0x1  }
0xbe: {  	_ =	sfence.sel $0xFFFF  }
0xbf: {  	[dreg:$0x0] =	wrdreg $0xFFFFFFFF;
	(pc) =	sbr.abs _section_cstart, $3  }
0xc0: {  	[dreg:$0x1] =	wrdreg $0xFFFFFFFF  }
0xc1: {  	_ =	task.clear_ibuf [dreg:s7], $0x2FFFF;
	_ =	strace $0x9FFFFFFF  }
0xc2: {  	(tm) =	ssettm $0x7FFFFFFF  }
0xc3: {  	_ =	shalt  }
tec
execute0_lowered:
.L_overlay_start_1:
0x0: {  	(tag) =	ssettag $0x1  }
0x1: {  	s4 =	rddreg [dreg:$0x0]  }
0x2: {  	s0 =	srdreg.scid;
	s2 =	rddreg [dreg:$0x1]  }
0x3: {  	s10 =	simm.s32 $0x400;
	s11 =	simm.s32 $0x3;
	s12 =	simm.s32 $0x14000  }
0x4: {  	s13 =	simm.s32 $0x14800;
	s14 =	simm.s32 $0x1;
	s15 =	simm.s32 $0xA000  }
0x5: {  	s16 =	simm.s32 $0x2;
	s17 =	simm.s32 $0x0;
	s5 =	sand.u32 $0x1, s0  }
0x6: {  	s0 =	stileid.u32;
	s1 =	sshll.u32 s5, $0x4;
	s6 =	smul.u32 $0xA0000, s5  }
0x7: {  	s7 =	sshrl.u32 s0, $0x3;
	s9 =	sshll.u32 s0, $0x7;
	s5 =	ssub.s32 $0x2, s5  }
0x8: {  	s3 =	sor.u32 s0, s1;
	s1 =	rddreg [dreg:$0x2];
	s7 =	smul.u32 $0x50000, s7  }
0x9: {  	s9 =	sand.u32 $0x380, s9;
	s30 =	sshrl.u32 s5, $0x1;
	s8 =	sshrl.u32 s3, $0x3  }
0xa: {  	s3 =	simm.s32 $0x0;
	s31 =	ssub.s32 s5, s30;
	s8 =	smul.u32 $0x50000, s8  }
0xb: {  	s5 =	sadd.s32 $0x100, s2;
	[smem:$0x7FF] =	sst s3;
	s6 =	sadd.s32 s6, s7  }
0xc: {  	_ =	strace $0x8000004A;
	s6 =	sor.u32 s9, s6;
	s28 =	sor.u32 s9, s8  }
0xd: {  	s6 =	sshrl.u32 s6, $0x3;
	s8 =	smax.u32 s31, $0x1;
	s7 =	sshrl.u32 s28, $0x3  }
0xe: {  	s9 =	simm.s32 $0x80;
	s29 =	sadd.s32 s6, s4;
	s7 =	sadd.s32 s7, s4  }
0xf: {  	v0 =	vimm.f32 $0.0e+00;
	s6 =	sadd.s32 $0x200, s2;
	s4 =	sadd.s32 $0x1200, s7;
	s7 =	sadd.s32 $0x29200, s29  }
.LBB2_1:
0x10: {  	[tilespmem:s3], [sflag:$0x3] =	stream.strided.gather [hbm4b:s4+s9], $0xA000, s10, s9, $0x38;
	[tilespmem:$0x15000] =	vst v63  }
0x11: {  	_ =	swait.ge [sflag:s11], $0xA000  }
0x12: {  	[sflag:s11] =	ssyncset.done $0x0  }
0x13: {  	s18 =	simm.s32 $0x40;
	s19 =	simm.s32 $0x0;
	[sflag:s11] =	ssyncadd.s32 $0xFFFF6000  }
.LBB2_2:
0x14: {  	p0 =	sne.s32 s18, $0x27FC0;
	[tilespmem:s19+$0xA000] =	vst v0;
	s19 =	smov.u32 s18;
	s18 =	sadd.s32 $0x40, s18  }
.Ltmp0:
0x15: {  	(pc) =	sbr.rel @p0 .LBB2_2-.Ltmp0, $2  }
0x16: {  	_ =	sdelay $0x2  }
0x17: {  	s19 =	sshra.s32 s19, $0x2  }
0x18: {  	[tilespmem:s19+$0xA000] =	vst v0;
	s18 =	simm.s32 $0x0  }
0x19: {  	[tilespmem:s12], [sflag:$0x1] =	stream.linear.gather [hbm4b:s2+s18], $0x800, $0x38;
	[tilespmem:$0x15000] =	vst v63  }
.LBB2_4:
0x1a: {  	s19 =	sshll.u32 s18, $0x9  }
0x1b: {  	s20 =	sadd.s32 s19, s5  }
0x1c: {  	[tilespmem:s13], [sflag:$0x2] =	stream.linear.gather [hbm4b:s20+s3], $0x800, $0x38;
	[tilespmem:$0x15000] =	vst v63  }
0x1d: {  	_ =	swait.ge [sflag:s14], $0x800  }
0x1e: {  	[sflag:s14] =	ssyncset.done $0x0  }
0x1f: {  	s21 =	simm.s32 $0x14080;
	s20 =	simm.s32 $0xFFFFFFF0;
	[sflag:s14] =	ssyncadd.s32 $0xFFFFF800  }
.LBB2_5:
0x20: {  	v1 =	vld [tilespmem:s21+$0xFFFFFF80];
	_ =	sdelay $0x4  }
0x21: {  	v2 =	vshrl.u32 v1, $0x10;
	_ =	sdelay $0x3  }
0x22: {  	v3 =	vadd.s32 $0x2800, v2  }
0x23: {  	v4 =	vand.u32 $0xFFFF, v1;
	v5 =	vand.u32 $0x7F, v2;
	v3 =	vand.u32 $0x1FF80, v3;
	v6 =	vld.idx.msk [tilespmem:v2+s3+$0x0], $0xffff  }
0x24: {  	v8 =	vld [tilespmem:s21+$0xFFFFFF90];
	v3 =	vor.u32 v5, v3  }
0x25: {  	v29 =	vld [tilespmem:s21+$0xFFFFFFA0]  }
0x26: {  	v38 =	vld [tilespmem:s21+$0xFFFFFFC0]  }
0x27: {  	v46 =	vld [tilespmem:s21+$0xFFFFFFD0];
	v7 =	vadd.s32 $0x2800, v4  }
0x28: {  	v1 =	vand.u32 $0x7F, v1;
	v27 =	vadd.s32 $0x5000, v2;
	v26 =	vand.u32 $0x1FF80, v7;
	[tilespmem:v4+s15+$0x0] =	vst.idx.add.f32.msk $0xffff, v6  }
0x29: {  	v7 =	vand.u32 $0x1FF80, v27;
	v6 =	vor.u32 v1, v26;
	v3 =	vld.idx.msk [tilespmem:v3+s3+$0x0], $0xffff  }
0x2a: {  	v7 =	vor.u32 v5, v7  }
0x2b: {  	v9 =	vshrl.u32 v8, $0x10  }
0x2c: {  	v34 =	vld [tilespmem:s21+$0xFFFFFFB0];
	v31 =	vshrl.u32 v29, $0x10  }
0x2d: {  	v21 =	vld [tilespmem:s21+$0xFFFFFFE0];
	v43 =	vshrl.u32 v38, $0x10;
	v10 =	vadd.s32 $0x5000, v4  }
0x2e: {  	v50 =	vshrl.u32 v46, $0x10;
	[tilespmem:v6+s15+$0x0] =	vst.idx.add.f32.msk $0xffff, v3;
	v3 =	vand.u32 $0x1FF80, v10  }
0x2f: {  	v2 =	vadd.s32 $0x7800, v2;
	v6 =	vld.idx.msk [tilespmem:v7+s3+$0x0], $0xffff;
	v3 =	vor.u32 v1, v3  }
0x30: {  	v30 =	vand.u32 $0xFFFF, v8;
	v12 =	vld.idx.msk [tilespmem:v9+s3+$0x0], $0xffff;
	v2 =	vand.u32 $0x1FF80, v2  }
0x31: {  	v28 =	vadd.s32 $0x2800, v9;
	v16 =	vld.idx.msk [tilespmem:v31+s3+$0x0], $0xffff;
	v2 =	vor.u32 v5, v2  }
0x32: {  	v14 =	vand.u32 $0xFFFF, v29;
	v11 =	vand.u32 $0x7F, v9;
	v19 =	vld.idx.msk [tilespmem:v43+s3+$0x0], $0xffff;
	v5 =	vand.u32 $0x1FF80, v28  }
0x33: {  	v57 =	vld.idx.msk [tilespmem:v50+s3+$0x0], $0xffff;
	v5 =	vor.u32 v11, v5  }
0x34: {  	v47 =	vand.u32 $0xFFFF, v38;
	[tilespmem:v3+s15+$0x0] =	vst.idx.add.f32.msk $0xffff, v6;
	v3 =	vadd.s32 $0x7800, v4  }
0x35: {  	v32 =	vand.u32 $0x7F, v8;
	v59 =	vand.u32 $0xFFFF, v46;
	[tilespmem:v30+s15+$0x0] =	vst.idx.add.f32.msk $0xffff, v12;
	v3 =	vand.u32 $0x1FF80, v3  }
0x36: {  	v33 =	vadd.s32 $0x5000, v9;
	v2 =	vld.idx.msk [tilespmem:v2+s3+$0x0], $0xffff;
	v1 =	vor.u32 v1, v3;
	v3 =	vadd.s32 $0x2800, v30  }
0x37: {  	v13 =	vadd.s32 $0x2800, v31;
	v15 =	vand.u32 $0x7F, v31;
	[tilespmem:v14+s15+$0x0] =	vst.idx.add.f32.msk $0xffff, v16;
	v3 =	vand.u32 $0x1FF80, v3  }
0x38: {  	v35 =	vadd.s32 $0x2800, v14;
	v8 =	vand.u32 $0x1FF80, v33;
	v5 =	vld.idx.msk [tilespmem:v5+s3+$0x0], $0xffff;
	v3 =	vor.u32 v32, v3  }
0x39: {  	v13 =	vand.u32 $0x1FF80, v13;
	v8 =	vor.u32 v11, v8;
	[tilespmem:v47+s15+$0x0] =	vst.idx.add.f32.msk $0xffff, v19;
	v4 =	vadd.s32 $0x7800, v31  }
0x3a: {  	v36 =	vadd.s32 $0x5000, v31;
	v13 =	vor.u32 v15, v13;
	[tilespmem:v59+s15+$0x0] =	vst.idx.add.f32.msk $0xffff, v57;
	v4 =	vand.u32 $0x1FF80, v4  }
0x3b: {  	v7 =	vand.u32 $0x7F, v29;
	v4 =	vor.u32 v15, v4;
	[tilespmem:v1+s15+$0x0] =	vst.idx.add.f32.msk $0xffff, v2;
	v1 =	vadd.s32 $0x5000, v30  }
0x3c: {  	v26 =	vld [tilespmem:s21+$0xFFFFFFF0];
	v2 =	vadd.s32 $0x7800, v9;
	v9 =	vand.u32 $0x1FF80, v36;
	v1 =	vand.u32 $0x1FF80, v1  }
0x3d: {  	v2 =	vand.u32 $0x1FF80, v2;
	v9 =	vor.u32 v15, v9;
	[tilespmem:v3+s15+$0x0] =	vst.idx.add.f32.msk $0xffff, v5;
	v3 =	vshrl.u32 v34, $0x10  }
0x3e: {  	v1 =	vor.u32 v32, v1;
	v2 =	vor.u32 v11, v2;
	v5 =	vld.idx.msk [tilespmem:v8+s3+$0x0], $0xffff;
	v8 =	vand.u32 $0x1FF80, v35  }
0x3f: {  	v37 =	vld.idx.msk [tilespmem:v13+s3+$0x0], $0xffff;
	v18 =	vadd.s32 $0x2800, v3;
	v40 =	vand.u32 $0x7F, v3;
	v45 =	vadd.s32 $0x5000, v3  }
0x40: {  	v8 =	vor.u32 v7, v8;
	v41 =	vand.u32 $0x1FF80, v18;
	v15 =	vand.u32 $0x1FF80, v45;
	v45 =	vld [tilespmem:s21+$0x10]  }
0x41: {  	v10 =	vor.u32 v40, v41;
	v41 =	vld [tilespmem:s21+$0x0]  }
0x42: {  	v24 =	vshrl.u32 v21, $0x10;
	v17 =	vld.idx.msk [tilespmem:v3+s3+$0x0], $0xffff  }
0x43: {  	v39 =	vand.u32 $0xFFFF, v34;
	[tilespmem:v1+s15+$0x0] =	vst.idx.add.f32.msk $0xffff, v5;
	v1 =	vadd.s32 $0x7800, v30  }
0x44: {  	v42 =	vadd.s32 $0x5000, v14;
	v2 =	vld.idx.msk [tilespmem:v2+s3+$0x0], $0xffff;
	v1 =	vand.u32 $0x1FF80, v1  }
0x45: {  	v6 =	vand.u32 $0x1FF80, v42;
	[tilespmem:v8+s15+$0x0] =	vst.idx.add.f32.msk $0xffff, v37;
	v1 =	vor.u32 v32, v1  }
0x46: {  	v44 =	vadd.s32 $0x2800, v39;
	v6 =	vor.u32 v7, v6;
	v8 =	vld.idx.msk [tilespmem:v9+s3+$0x0], $0xffff  }
0x47: {  	v48 =	vand.u32 $0x7F, v43;
	v49 =	vadd.s32 $0x7800, v14;
	v53 =	vadd.s32 $0x2800, v47;
	v30 =	vld.idx.msk [tilespmem:v24+s3+$0x0], $0xffff  }
0x48: {  	v25 =	vadd.s32 $0x5000, v47;
	v12 =	vand.u32 $0x7F, v34;
	v33 =	vshrl.u32 v26, $0x10;
	[tilespmem:v39+s15+$0x0] =	vst.idx.add.f32.msk $0xffff, v17  }
0x49: {  	v36 =	vadd.s32 $0x7800, v47;
	v11 =	vand.u32 $0x1FF80, v44;
	v47 =	vshrl.u32 v41, $0x10;
	v10 =	vld.idx.msk [tilespmem:v10+s3+$0x0], $0xffff  }
0x4a: {  	v51 =	vadd.s32 $0x5000, v39;
	v58 =	vadd.s32 $0x2800, v50;
	v11 =	vor.u32 v12, v11;
	[tilespmem:v1+s15+$0x0] =	vst.idx.add.f32.msk $0xffff, v2  }
0x4b: {  	v20 =	vand.u32 $0x7F, v50;
	v1 =	vor.u32 v40, v15;
	[tilespmem:v6+s15+$0x0] =	vst.idx.add.f32.msk $0xffff, v8;
	v6 =	vand.u32 $0x1FF80, v49  }
0x4c: {  	v14 =	vand.u32 $0x1FF80, v58;
	v2 =	vadd.s32 $0x2800, v43;
	v4 =	vld.idx.msk [tilespmem:v4+s3+$0x0], $0xffff;
	v6 =	vor.u32 v7, v6  }
0x4d: {  	v52 =	vand.u32 $0x1FF80, v51;
	v61 =	vor.u32 v20, v14;
	v37 =	vld.idx.msk [tilespmem:v33+s3+$0x0], $0xffff;
	v2 =	vand.u32 $0x1FF80, v2  }
0x4e: {  	v7 =	vor.u32 v12, v52;
	v52 =	vld.idx.msk [tilespmem:v47+s3+$0x0], $0xffff;
	v2 =	vor.u32 v48, v2  }
0x4f: {  	v23 =	vadd.s32 $0x5000, v50;
	v32 =	vadd.s32 $0x7800, v50;
	v50 =	vand.u32 $0xFFFF, v41;
	[tilespmem:v11+s15+$0x0] =	vst.idx.add.f32.msk $0xffff, v10  }
0x50: {  	v3 =	vadd.s32 $0x7800, v3;
	v1 =	vld.idx.msk [tilespmem:v1+s3+$0x0], $0xffff  }
0x51: {  	v3 =	vand.u32 $0x1FF80, v3;
	[tilespmem:v6+s15+$0x0] =	vst.idx.add.f32.msk $0xffff, v4  }
0x52: {  	v55 =	vand.u32 $0x7F, v38;
	v54 =	vand.u32 $0x1FF80, v53;
	v3 =	vor.u32 v40, v3;
	v6 =	vld.idx.msk [tilespmem:v61+s3+$0x0], $0xffff  }
0x53: {  	v56 =	vadd.s32 $0x5000, v43;
	v5 =	vor.u32 v55, v54;
	v2 =	vld.idx.msk [tilespmem:v2+s3+$0x0], $0xffff  }
0x54: {  	v60 =	vand.u32 $0x1FF80, v56;
	[tilespmem:v50+s15+$0x0] =	vst.idx.add.f32.msk $0xffff, v52  }
0x55: {  	v62 =	vadd.s32 $0x2800, v59;
	v4 =	vor.u32 v48, v60;
	[tilespmem:v7+s15+$0x0] =	vst.idx.add.f32.msk $0xffff, v1;
	v1 =	vadd.s32 $0x7800, v39  }
0x56: {  	v38 =	vadd.s32 $0x2800, v33;
	v52 =	vld [tilespmem:s21+$0x60];
	v39 =	vand.u32 $0xFFFF, v26;
	v1 =	vand.u32 $0x1FF80, v1  }
0x57: {  	v40 =	vand.u32 $0x7F, v33;
	v15 =	vand.u32 $0x1FF80, v38;
	v3 =	vld.idx.msk [tilespmem:v3+s3+$0x0], $0xffff;
	v1 =	vor.u32 v12, v1  }
0x58: {  	v63 =	vand.u32 $0x7F, v46;
	v15 =	vor.u32 v40, v15;
	[tilespmem:v5+s15+$0x0] =	vst.idx.add.f32.msk $0xffff, v2;
	v2 =	vand.u32 $0x1FF80, v62  }
0x59: {  	v7 =	vand.u32 $0x1FF80, v23;
	v23 =	vld [tilespmem:s21+$0x20];
	v2 =	vor.u32 v63, v2  }
0x5a: {  	v9 =	vadd.s32 $0x7800, v43;
	v7 =	vor.u32 v20, v7;
	v12 =	vand.u32 $0x1FF80, v25;
	v4 =	vld.idx.msk [tilespmem:v4+s3+$0x0], $0xffff  }
0x5b: {  	v9 =	vand.u32 $0x1FF80, v9;
	v12 =	vor.u32 v55, v12;
	[tilespmem:v39+s15+$0x0] =	vst.idx.add.f32.msk $0xffff, v37  }
0x5c: {  	v27 =	vadd.s32 $0x5000, v59;
	v28 =	vadd.s32 $0x2800, v24;
	[tilespmem:v1+s15+$0x0] =	vst.idx.add.f32.msk $0xffff, v3;
	v3 =	vor.u32 v48, v9  }
0x5d: {  	v14 =	vand.u32 $0x1FF80, v28;
	v29 =	vand.u32 $0x7F, v24;
	v15 =	vld.idx.msk [tilespmem:v15+s3+$0x0], $0xffff;
	v1 =	vand.u32 $0xFFFF, v21  }
0x5e: {  	v19 =	vadd.s32 $0x7800, v59;
	v31 =	vor.u32 v29, v14;
	[tilespmem:v2+s15+$0x0] =	vst.idx.add.f32.msk $0xffff, v6;
	v2 =	vand.u32 $0x1FF80, v27  }
0x5f: {  	v42 =	vand.u32 $0x1FF80, v19;
	v7 =	vld.idx.msk [tilespmem:v7+s3+$0x0], $0xffff;
	v2 =	vor.u32 v63, v2  }
0x60: {  	v5 =	vor.u32 v63, v42;
	[tilespmem:v12+s15+$0x0] =	vst.idx.add.f32.msk $0xffff, v4;
	v4 =	vand.u32 $0x1FF80, v32;
	v63 =	vshrl.u32 v23, $0x10  }
0x61: {  	v34 =	vadd.s32 $0x2800, v1;
	v4 =	vor.u32 v20, v4;
	v3 =	vld.idx.msk [tilespmem:v3+s3+$0x0], $0xffff  }
0x62: {  	v48 =	vshrl.u32 v45, $0x10;
	v12 =	vand.u32 $0x7F, v21;
	v9 =	vand.u32 $0x1FF80, v34;
	[tilespmem:v1+s15+$0x0] =	vst.idx.add.f32.msk $0xffff, v30  }
0x63: {  	v9 =	vor.u32 v12, v9;
	v6 =	vld.idx.msk [tilespmem:v31+s3+$0x0], $0xffff  }
0x64: {  	v13 =	vand.u32 $0x7F, v26;
	v25 =	vadd.s32 $0x5000, v50;
	[tilespmem:v2+s15+$0x0] =	vst.idx.add.f32.msk $0xffff, v7  }
0x65: {  	v26 =	vand.u32 $0x1FF80, v25;
	v31 =	vand.u32 $0xFFFF, v23;
	v7 =	vand.u32 $0x1FF80, v36;
	v25 =	vld.idx.msk [tilespmem:v63+s3+$0x0], $0xffff  }
0x66: {  	v35 =	vadd.s32 $0x5000, v24;
	v4 =	vld.idx.msk [tilespmem:v4+s3+$0x0], $0xffff;
	v7 =	vor.u32 v55, v7  }
0x67: {  	v2 =	vand.u32 $0x1FF80, v35;
	v55 =	vld.idx.msk [tilespmem:v48+s3+$0x0], $0xffff  }
0x68: {  	v44 =	vadd.s32 $0x2800, v39;
	v2 =	vor.u32 v29, v2;
	[tilespmem:v9+s15+$0x0] =	vst.idx.add.f32.msk $0xffff, v6  }
0x69: {  	v46 =	vadd.s32 $0x5000, v33;
	v57 =	vand.u32 $0xFFFF, v45;
	v9 =	vand.u32 $0x1FF80, v44;
	v44 =	vld [tilespmem:s21+$0x40]  }
0x6a: {  	v14 =	vand.u32 $0x1FF80, v46;
	v58 =	vand.u32 $0x7F, v41;
	[tilespmem:v31+s15+$0x0] =	vst.idx.add.f32.msk $0xffff, v25  }
0x6b: {  	v51 =	vand.u32 $0x7F, v47;
	v49 =	vadd.s32 $0x2800, v47;
	v9 =	vor.u32 v13, v9;
	[tilespmem:v7+s15+$0x0] =	vst.idx.add.f32.msk $0xffff, v3  }
0x6c: {  	v43 =	vadd.s32 $0x5000, v1;
	v3 =	vor.u32 v40, v14;
	[tilespmem:v5+s15+$0x0] =	vst.idx.add.f32.msk $0xffff, v4;
	v5 =	vand.u32 $0x1FF80, v49  }
0x6d: {  	v53 =	vadd.s32 $0x5000, v39;
	v6 =	vand.u32 $0x1FF80, v43;
	v2 =	vld.idx.msk [tilespmem:v2+s3+$0x0], $0xffff;
	v5 =	vor.u32 v51, v5  }
0x6e: {  	v56 =	vadd.s32 $0x2800, v48;
	v22 =	vand.u32 $0x7F, v48;
	v6 =	vor.u32 v12, v6;
	[tilespmem:v57+s15+$0x0] =	vst.idx.add.f32.msk $0xffff, v55  }
0x6f: {  	v62 =	vadd.s32 $0x5000, v48;
	v16 =	vand.u32 $0x1FF80, v56;
	v4 =	vadd.s32 $0x7800, v48;
	v48 =	vld [tilespmem:s21+$0x50]  }
0x70: {  	v54 =	vadd.s32 $0x2800, v50;
	v16 =	vor.u32 v22, v16;
	[tilespmem:v9+s15+$0x0] =	vst.idx.add.f32.msk $0xffff, v15;
	v9 =	vand.u32 $0x1FF80, v53  }
0x71: {  	v59 =	vadd.s32 $0x5000, v47;
	v14 =	vand.u32 $0x1FF80, v54;
	v3 =	vld.idx.msk [tilespmem:v3+s3+$0x0], $0xffff;
	v9 =	vor.u32 v13, v9  }
0x72: {  	v20 =	vand.u32 $0x1FF80, v59;
	v14 =	vor.u32 v58, v14;
	v5 =	vld.idx.msk [tilespmem:v5+s3+$0x0], $0xffff  }
0x73: {  	v8 =	vadd.s32 $0x7800, v33;
	v20 =	vor.u32 v51, v20;
	[tilespmem:v6+s15+$0x0] =	vst.idx.add.f32.msk $0xffff, v2;
	v2 =	vadd.s32 $0x7800, v24  }
0x74: {  	v8 =	vand.u32 $0x1FF80, v8;
	v54 =	vld [tilespmem:s21+$0x70];
	v24 =	vadd.s32 $0x2800, v57;
	v2 =	vand.u32 $0x1FF80, v2  }
0x75: {  	v61 =	vand.u32 $0x7F, v45;
	v16 =	vld.idx.msk [tilespmem:v16+s3+$0x0], $0xffff;
	v60 =	vand.u32 $0x1FF80, v24;
	v2 =	vor.u32 v29, v2  }
0x76: {  	v10 =	vand.u32 $0x1FF80, v62;
	[tilespmem:v9+s15+$0x0] =	vst.idx.add.f32.msk $0xffff, v3;
	v3 =	vor.u32 v40, v8;
	v8 =	vor.u32 v61, v60  }
0x77: {  	v27 =	vadd.s32 $0x7800, v47;
	v10 =	vor.u32 v22, v10;
	[tilespmem:v14+s15+$0x0] =	vst.idx.add.f32.msk $0xffff, v5  }
0x78: {  	v30 =	vadd.s32 $0x2800, v63;
	v5 =	vor.u32 v58, v26;
	v14 =	vand.u32 $0x1FF80, v27;
	v28 =	vld.idx.msk [tilespmem:v20+s3+$0x0], $0xffff  }
0x79: {  	v32 =	vand.u32 $0x7F, v63;
	v19 =	vand.u32 $0x1FF80, v30;
	v40 =	vld [tilespmem:s21+$0x30];
	v7 =	vor.u32 v51, v14  }
0x7a: {  	v1 =	vadd.s32 $0x7800, v1;
	v34 =	vor.u32 v32, v19;
	v2 =	vld.idx.msk [tilespmem:v2+s3+$0x0], $0xffff  }
0x7b: {  	v1 =	vand.u32 $0x1FF80, v1;
	v29 =	vadd.s32 $0x5000, v57;
	[tilespmem:v8+s15+$0x0] =	vst.idx.add.f32.msk $0xffff, v16  }
0x7c: {  	v1 =	vor.u32 v12, v1;
	v33 =	vand.u32 $0x1FF80, v29;
	v10 =	vld.idx.msk [tilespmem:v10+s3+$0x0], $0xffff  }
0x7d: {  	v37 =	vadd.s32 $0x5000, v63;
	v35 =	vadd.s32 $0x2800, v31;
	v8 =	vor.u32 v61, v33;
	[tilespmem:v5+s15+$0x0] =	vst.idx.add.f32.msk $0xffff, v28  }
0x7e: {  	v36 =	vand.u32 $0x7F, v23;
	v16 =	vshrl.u32 v48, $0x10;
	v5 =	vld.idx.msk [tilespmem:v7+s3+$0x0], $0xffff;
	v7 =	vand.u32 $0x1FF80, v35  }
0x7f: {  	v18 =	vand.u32 $0x1FF80, v37;
	v14 =	vld.idx.msk [tilespmem:v34+s3+$0x0], $0xffff;
	v7 =	vor.u32 v36, v7  }
0x80: {  	v17 =	vadd.s32 $0x7800, v39;
	v38 =	vor.u32 v32, v18;
	v4 =	vand.u32 $0x1FF80, v4;
	v3 =	vld.idx.msk [tilespmem:v3+s3+$0x0], $0xffff  }
0x81: {  	v39 =	vand.u32 $0x1FF80, v17;
	v4 =	vor.u32 v22, v4;
	[tilespmem:v1+s15+$0x0] =	vst.idx.add.f32.msk $0xffff, v2  }
0x82: {  	v6 =	vadd.s32 $0x7800, v50;
	[tilespmem:v8+s15+$0x0] =	vst.idx.add.f32.msk $0xffff, v10;
	v10 =	vor.u32 v13, v39  }
0x83: {  	v43 =	vadd.s32 $0x5000, v31;
	v6 =	vand.u32 $0x1FF80, v6;
	v1 =	vshrl.u32 v40, $0x10;
	v33 =	vld.idx.msk [tilespmem:v16+s3+$0x0], $0xffff  }
0x84: {  	v41 =	vadd.s32 $0x7800, v57;
	v45 =	vand.u32 $0x1FF80, v43;
	v6 =	vor.u32 v58, v6;
	[tilespmem:v7+s15+$0x0] =	vst.idx.add.f32.msk $0xffff, v14  }
0x85: {  	v42 =	vand.u32 $0x1FF80, v41;
	v7 =	vor.u32 v36, v45;
	v8 =	vld.idx.msk [tilespmem:v38+s3+$0x0], $0xffff  }
0x86: {  	v9 =	vor.u32 v61, v42;
	v2 =	vadd.s32 $0x7800, v63;
	v4 =	vld.idx.msk [tilespmem:v4+s3+$0x0], $0xffff  }
0x87: {  	v2 =	vand.u32 $0x1FF80, v2;
	[tilespmem:v10+s15+$0x0] =	vst.idx.add.f32.msk $0xffff, v3;
	v3 =	vshrl.u32 v44, $0x10  }
0x88: {  	v49 =	vadd.s32 $0x7800, v31;
	v2 =	vor.u32 v32, v2;
	v46 =	vld.idx.msk [tilespmem:v1+s3+$0x0], $0xffff  }
0x89: {  	v17 =	vand.u32 $0x7F, v44;
	v61 =	vshrl.u32 v54, $0x10;
	v47 =	vadd.s32 $0x2800, v1;
	[tilespmem:v6+s15+$0x0] =	vst.idx.add.f32.msk $0xffff, v5  }
0x8a: {  	v6 =	vand.u32 $0xFFFF, v40;
	v5 =	vand.u32 $0x1FF80, v47;
	[tilespmem:v7+s15+$0x0] =	vst.idx.add.f32.msk $0xffff, v8;
	v7 =	vand.u32 $0x7F, v1  }
0x8b: {  	v15 =	vand.u32 $0x7F, v52;
	v62 =	vand.u32 $0xFFFF, v48;
	[tilespmem:v9+s15+$0x0] =	vst.idx.add.f32.msk $0xffff, v4;
	v5 =	vor.u32 v7, v5  }
0x8c: {  	v13 =	vand.u32 $0xFFFF, v44;
	v51 =	vadd.s32 $0x2800, v3;
	v9 =	vand.u32 $0x1FF80, v49;
	v50 =	vld.idx.msk [tilespmem:v3+s3+$0x0], $0xffff  }
0x8d: {  	v14 =	vand.u32 $0x7F, v3;
	v11 =	vand.u32 $0x1FF80, v51;
	v9 =	vor.u32 v36, v9;
	v2 =	vld.idx.msk [tilespmem:v2+s3+$0x0], $0xffff  }
0x8e: {  	v58 =	vshrl.u32 v52, $0x10;
	v26 =	vand.u32 $0xFFFF, v54;
	v28 =	vld.idx.msk [tilespmem:v61+s3+$0x0], $0xffff;
	v11 =	vor.u32 v14, v11  }
0x8f: {  	v18 =	vand.u32 $0x7F, v54;
	v37 =	vand.u32 $0x7F, v58;
	v43 =	vadd.s32 $0x2800, v26;
	[tilespmem:v6+s15+$0x0] =	vst.idx.add.f32.msk $0xffff, v46  }
0x90: {  	v12 =	vand.u32 $0x7F, v40;
	v60 =	vadd.s32 $0x2800, v16;
	v53 =	vadd.s32 $0x2800, v6;
	v5 =	vld.idx.msk [tilespmem:v5+s3+$0x0], $0xffff  }
0x91: {  	v27 =	vand.u32 $0x7F, v61;
	v56 =	vadd.s32 $0x2800, v13;
	v55 =	vand.u32 $0x1FF80, v53;
	[tilespmem:v13+s15+$0x0] =	vst.idx.add.f32.msk $0xffff, v50  }
0x92: {  	v59 =	vadd.s32 $0x5000, v1;
	v57 =	vand.u32 $0x1FF80, v56;
	v4 =	vor.u32 v12, v55;
	[tilespmem:v9+s15+$0x0] =	vst.idx.add.f32.msk $0xffff, v2  }
0x93: {  	v30 =	vadd.s32 $0x5000, v16;
	v10 =	vor.u32 v17, v57;
	v2 =	vand.u32 $0x1FF80, v59;
	v11 =	vld.idx.msk [tilespmem:v11+s3+$0x0], $0xffff  }
0x94: {  	v63 =	vand.u32 $0x7F, v16;
	v35 =	vadd.s32 $0x2800, v58;
	v38 =	vld.idx.msk [tilespmem:v58+s3+$0x0], $0xffff;
	v2 =	vor.u32 v7, v2  }
0x95: {  	[tilespmem:v62+s15+$0x0] =	vst.idx.add.f32.msk $0xffff, v33;
	v41 =	vadd.s32 $0x5000, v3;
	v36 =	vand.u32 $0xFFFF, v52;
	v9 =	vand.u32 $0x1FF80, v60  }
0x96: {  	v40 =	vadd.s32 $0x2800, v61;
	[tilespmem:v26+s15+$0x0] =	vst.idx.add.f32.msk $0xffff, v28;
	v23 =	vand.u32 $0x1FF80, v41;
	v34 =	vor.u32 v63, v9  }
0x97: {  	v23 =	vor.u32 v14, v23;
	v50 =	vadd.s32 $0x5000, v6;
	[tilespmem:v4+s15+$0x0] =	vst.idx.add.f32.msk $0xffff, v5;
	v5 =	vand.u32 $0x1FF80, v35  }
0x98: {  	v45 =	vand.u32 $0x1FF80, v30;
	v30 =	vand.u32 $0x1FF80, v50;
	[tilespmem:v10+s15+$0x0] =	vst.idx.add.f32.msk $0xffff, v11;
	v5 =	vor.u32 v37, v5  }
0x99: {  	v39 =	vadd.s32 $0x2800, v62;
	v53 =	vor.u32 v12, v30;
	v11 =	vand.u32 $0x1FF80, v40;
	v2 =	vld.idx.msk [tilespmem:v2+s3+$0x0], $0xffff  }
0x9a: {  	v8 =	vand.u32 $0x7F, v48;
	[tilespmem:v36+s15+$0x0] =	vst.idx.add.f32.msk $0xffff, v38;
	v10 =	vand.u32 $0x1FF80, v39;
	v11 =	vor.u32 v27, v11  }
0x9b: {  	v54 =	vadd.s32 $0x5000, v62;
	v29 =	vadd.s32 $0x2800, v36;
	v4 =	vld.idx.msk [tilespmem:v34+s3+$0x0], $0xffff;
	v10 =	vor.u32 v8, v10  }
0x9c: {  	v47 =	vor.u32 v63, v45;
	v42 =	vand.u32 $0x1FF80, v29;
	v1 =	vadd.s32 $0x7800, v1;
	v23 =	vld.idx.msk [tilespmem:v23+s3+$0x0], $0xffff  }
0x9d: {  	v44 =	vand.u32 $0x1FF80, v43;
	v25 =	vor.u32 v15, v42;
	v1 =	vand.u32 $0x1FF80, v1;
	v5 =	vld.idx.msk [tilespmem:v5+s3+$0x0], $0xffff  }
0x9e: {  	v28 =	vor.u32 v18, v44;
	v46 =	vadd.s32 $0x5000, v58;
	v1 =	vor.u32 v7, v1;
	[tilespmem:v53+s15+$0x0] =	vst.idx.add.f32.msk $0xffff, v2  }
0x9f: {  	v49 =	vadd.s32 $0x5000, v61;
	v51 =	vadd.s32 $0x5000, v13;
	v48 =	vand.u32 $0x1FF80, v46;
	v11 =	vld.idx.msk [tilespmem:v11+s3+$0x0], $0xffff  }
0xa0: {  	v29 =	vand.u32 $0x1FF80, v49;
	v30 =	vand.u32 $0x1FF80, v54;
	[tilespmem:v10+s15+$0x0] =	vst.idx.add.f32.msk $0xffff, v4;
	v10 =	vor.u32 v37, v48  }
0xa1: {  	v52 =	vor.u32 v27, v29;
	v3 =	vadd.s32 $0x7800, v3;
	v56 =	vor.u32 v8, v30;
	v4 =	vld.idx.msk [tilespmem:v47+s3+$0x0], $0xffff  }
0xa2: {  	v2 =	vand.u32 $0x1FF80, v3;
	v3 =	vadd.s32 $0x7800, v16;
	[tilespmem:v25+s15+$0x0] =	vst.idx.add.f32.msk $0xffff, v5;
	v5 =	vand.u32 $0x1FF80, v51  }
0xa3: {  	v55 =	vadd.s32 $0x5000, v36;
	v3 =	vand.u32 $0x1FF80, v3;
	v1 =	vld.idx.msk [tilespmem:v1+s3+$0x0], $0xffff;
	v5 =	vor.u32 v17, v5  }
0xa4: {  	v3 =	vor.u32 v63, v3;
	[tilespmem:v28+s15+$0x0] =	vst.idx.add.f32.msk $0xffff, v11;
	v11 =	vand.u32 $0x1FF80, v55  }
0xa5: {  	v57 =	vadd.s32 $0x5000, v26;
	v10 =	vld.idx.msk [tilespmem:v10+s3+$0x0], $0xffff;
	v11 =	vor.u32 v15, v11  }
0xa6: {  	v58 =	vadd.s32 $0x7800, v58;
	v30 =	vand.u32 $0x1FF80, v57;
	v2 =	vor.u32 v14, v2;
	v25 =	vld.idx.msk [tilespmem:v52+s3+$0x0], $0xffff  }
0xa7: {  	v59 =	vand.u32 $0x1FF80, v58;
	v60 =	vadd.s32 $0x7800, v61;
	v30 =	vor.u32 v18, v30;
	[tilespmem:v56+s15+$0x0] =	vst.idx.add.f32.msk $0xffff, v4  }
0xa8: {  	v6 =	vadd.s32 $0x7800, v6;
	v4 =	vor.u32 v37, v59;
	[tilespmem:v5+s15+$0x0] =	vst.idx.add.f32.msk $0xffff, v23;
	v5 =	vand.u32 $0x1FF80, v60  }
0xa9: {  	v61 =	vadd.s32 $0x7800, v13;
	v6 =	vand.u32 $0x1FF80, v6;
	v3 =	vld.idx.msk [tilespmem:v3+s3+$0x0], $0xffff;
	v5 =	vor.u32 v27, v5  }
0xaa: {  	v62 =	vadd.s32 $0x7800, v62;
	v7 =	vand.u32 $0x1FF80, v61;
	v6 =	vor.u32 v12, v6;
	[tilespmem:v11+s15+$0x0] =	vst.idx.add.f32.msk $0xffff, v10  }
0xab: {  	v9 =	vadd.s32 $0x7800, v36;
	v7 =	vor.u32 v17, v7;
	v2 =	vld.idx.msk [tilespmem:v2+s3+$0x0], $0xffff;
	v10 =	vand.u32 $0x1FF80, v62  }
0xac: {  	v9 =	vand.u32 $0x1FF80, v9;
	v63 =	vadd.s32 $0x7800, v26;
	[tilespmem:v30+s15+$0x0] =	vst.idx.add.f32.msk $0xffff, v25;
	v8 =	vor.u32 v8, v10  }
0xad: {  	s20 =	sadd.s32 $0x10, s20;
	v9 =	vor.u32 v15, v9;
	v4 =	vld.idx.msk [tilespmem:v4+s3+$0x0], $0xffff;
	v10 =	vand.u32 $0x1FF80, v63  }
0xae: {  	p0 =	slt.u32 s20, $0x70;
	v10 =	vor.u32 v18, v10;
	v5 =	vld.idx.msk [tilespmem:v5+s3+$0x0], $0xffff  }
.Ltmp1:
0xaf: {  	[tilespmem:v6+s15+$0x0] =	vst.idx.add.f32.msk $0xffff, v1;
	(pc) =	sbr.rel @p0 .LBB2_5-.Ltmp1, $4  }
0xb0: {  	[tilespmem:v7+s15+$0x0] =	vst.idx.add.f32.msk $0xffff, v2  }
0xb1: {  	[tilespmem:v8+s15+$0x0] =	vst.idx.add.f32.msk $0xffff, v3  }
0xb2: {  	[tilespmem:v9+s15+$0x0] =	vst.idx.add.f32.msk $0xffff, v4  }
0xb3: {  	s21 =	sadd.s32 $0x100, s21;
	[tilespmem:v10+s15+$0x0] =	vst.idx.add.f32.msk $0xffff, v5  }
0xb4: {  	p0 =	seq.s32 s18, $0x4F  }
0xb5: {  	s19 =	sadd.s32 @!p0 s19, s6;
	s20 =	simm.s32 @!p0 $0x0;
	s21 =	simm.s32 @!p0 $0x14000  }
0xb6: {  	[tilespmem:s21], [sflag:$0x1] =	stream.linear.gather @!p0 [hbm4b:s19+s20], $0x800, $0x38;
	[tilespmem:$0x15000] =	vst v63  }
0xb7: {  	_ =	swait.ge [sflag:s16], $0x800  }
0xb8: {  	[sflag:s16] =	ssyncset.done $0x0  }
0xb9: {  	s19 =	simm.s32 $0xFFFFFFF0;
	s20 =	simm.s32 $0x14880;
	[sflag:s16] =	ssyncadd.s32 $0xFFFFF800  }
.LBB2_7:
0xba: {  	v1 =	vld [tilespmem:s20+$0xFFFFFF80];
	_ =	sdelay $0x4  }
0xbb: {  	v2 =	vshrl.u32 v1, $0x10;
	_ =	sdelay $0x3  }
0xbc: {  	v3 =	vadd.s32 $0x2800, v2  }
0xbd: {  	v4 =	vand.u32 $0xFFFF, v1;
	v5 =	vand.u32 $0x7F, v2;
	v3 =	vand.u32 $0x1FF80, v3;
	v6 =	vld.idx.msk [tilespmem:v2+s3+$0x0], $0xffff  }
0xbe: {  	v8 =	vld [tilespmem:s20+$0xFFFFFF90];
	v3 =	vor.u32 v5, v3  }
0xbf: {  	v29 =	vld [tilespmem:s20+$0xFFFFFFA0]  }
0xc0: {  	v38 =	vld [tilespmem:s20+$0xFFFFFFC0]  }
0xc1: {  	v46 =	vld [tilespmem:s20+$0xFFFFFFD0];
	v7 =	vadd.s32 $0x2800, v4  }
0xc2: {  	v1 =	vand.u32 $0x7F, v1;
	v27 =	vadd.s32 $0x5000, v2;
	v26 =	vand.u32 $0x1FF80, v7;
	[tilespmem:v4+s15+$0x0] =	vst.idx.add.f32.msk $0xffff, v6  }
0xc3: {  	v7 =	vand.u32 $0x1FF80, v27;
	v6 =	vor.u32 v1, v26;
	v3 =	vld.idx.msk [tilespmem:v3+s3+$0x0], $0xffff  }
0xc4: {  	v7 =	vor.u32 v5, v7  }
0xc5: {  	v9 =	vshrl.u32 v8, $0x10  }
0xc6: {  	v34 =	vld [tilespmem:s20+$0xFFFFFFB0];
	v31 =	vshrl.u32 v29, $0x10  }
0xc7: {  	v21 =	vld [tilespmem:s20+$0xFFFFFFE0];
	v43 =	vshrl.u32 v38, $0x10;
	v10 =	vadd.s32 $0x5000, v4  }
0xc8: {  	v50 =	vshrl.u32 v46, $0x10;
	[tilespmem:v6+s15+$0x0] =	vst.idx.add.f32.msk $0xffff, v3;
	v3 =	vand.u32 $0x1FF80, v10  }
0xc9: {  	v2 =	vadd.s32 $0x7800, v2;
	v6 =	vld.idx.msk [tilespmem:v7+s3+$0x0], $0xffff;
	v3 =	vor.u32 v1, v3  }
0xca: {  	v30 =	vand.u32 $0xFFFF, v8;
	v12 =	vld.idx.msk [tilespmem:v9+s3+$0x0], $0xffff;
	v2 =	vand.u32 $0x1FF80, v2  }
0xcb: {  	v28 =	vadd.s32 $0x2800, v9;
	v16 =	vld.idx.msk [tilespmem:v31+s3+$0x0], $0xffff;
	v2 =	vor.u32 v5, v2  }
0xcc: {  	v14 =	vand.u32 $0xFFFF, v29;
	v11 =	vand.u32 $0x7F, v9;
	v19 =	vld.idx.msk [tilespmem:v43+s3+$0x0], $0xffff;
	v5 =	vand.u32 $0x1FF80, v28  }
0xcd: {  	v57 =	vld.idx.msk [tilespmem:v50+s3+$0x0], $0xffff;
	v5 =	vor.u32 v11, v5  }
0xce: {  	v47 =	vand.u32 $0xFFFF, v38;
	[tilespmem:v3+s15+$0x0] =	vst.idx.add.f32.msk $0xffff, v6;
	v3 =	vadd.s32 $0x7800, v4  }
0xcf: {  	v32 =	vand.u32 $0x7F, v8;
	v59 =	vand.u32 $0xFFFF, v46;
	[tilespmem:v30+s15+$0x0] =	vst.idx.add.f32.msk $0xffff, v12;
	v3 =	vand.u32 $0x1FF80, v3  }
0xd0: {  	v33 =	vadd.s32 $0x5000, v9;
	v2 =	vld.idx.msk [tilespmem:v2+s3+$0x0], $0xffff;
	v1 =	vor.u32 v1, v3;
	v3 =	vadd.s32 $0x2800, v30  }
0xd1: {  	v13 =	vadd.s32 $0x2800, v31;
	v15 =	vand.u32 $0x7F, v31;
	[tilespmem:v14+s15+$0x0] =	vst.idx.add.f32.msk $0xffff, v16;
	v3 =	vand.u32 $0x1FF80, v3  }
0xd2: {  	v35 =	vadd.s32 $0x2800, v14;
	v8 =	vand.u32 $0x1FF80, v33;
	v5 =	vld.idx.msk [tilespmem:v5+s3+$0x0], $0xffff;
	v3 =	vor.u32 v32, v3  }
0xd3: {  	v13 =	vand.u32 $0x1FF80, v13;
	v8 =	vor.u32 v11, v8;
	[tilespmem:v47+s15+$0x0] =	vst.idx.add.f32.msk $0xffff, v19;
	v4 =	vadd.s32 $0x7800, v31  }
0xd4: {  	v36 =	vadd.s32 $0x5000, v31;
	v13 =	vor.u32 v15, v13;
	[tilespmem:v59+s15+$0x0] =	vst.idx.add.f32.msk $0xffff, v57;
	v4 =	vand.u32 $0x1FF80, v4  }
0xd5: {  	v7 =	vand.u32 $0x7F, v29;
	v4 =	vor.u32 v15, v4;
	[tilespmem:v1+s15+$0x0] =	vst.idx.add.f32.msk $0xffff, v2;
	v1 =	vadd.s32 $0x5000, v30  }
0xd6: {  	v26 =	vld [tilespmem:s20+$0xFFFFFFF0];
	v2 =	vadd.s32 $0x7800, v9;
	v9 =	vand.u32 $0x1FF80, v36;
	v1 =	vand.u32 $0x1FF80, v1  }
0xd7: {  	v2 =	vand.u32 $0x1FF80, v2;
	v9 =	vor.u32 v15, v9;
	[tilespmem:v3+s15+$0x0] =	vst.idx.add.f32.msk $0xffff, v5;
	v3 =	vshrl.u32 v34, $0x10  }
0xd8: {  	v1 =	vor.u32 v32, v1;
	v2 =	vor.u32 v11, v2;
	v5 =	vld.idx.msk [tilespmem:v8+s3+$0x0], $0xffff;
	v8 =	vand.u32 $0x1FF80, v35  }
0xd9: {  	v37 =	vld.idx.msk [tilespmem:v13+s3+$0x0], $0xffff;
	v18 =	vadd.s32 $0x2800, v3;
	v40 =	vand.u32 $0x7F, v3;
	v45 =	vadd.s32 $0x5000, v3  }
0xda: {  	v8 =	vor.u32 v7, v8;
	v41 =	vand.u32 $0x1FF80, v18;
	v15 =	vand.u32 $0x1FF80, v45;
	v45 =	vld [tilespmem:s20+$0x10]  }
0xdb: {  	v10 =	vor.u32 v40, v41;
	v41 =	vld [tilespmem:s20+$0x0]  }
0xdc: {  	v24 =	vshrl.u32 v21, $0x10;
	v17 =	vld.idx.msk [tilespmem:v3+s3+$0x0], $0xffff  }
0xdd: {  	v39 =	vand.u32 $0xFFFF, v34;
	[tilespmem:v1+s15+$0x0] =	vst.idx.add.f32.msk $0xffff, v5;
	v1 =	vadd.s32 $0x7800, v30  }
0xde: {  	v42 =	vadd.s32 $0x5000, v14;
	v2 =	vld.idx.msk [tilespmem:v2+s3+$0x0], $0xffff;
	v1 =	vand.u32 $0x1FF80, v1  }
0xdf: {  	v6 =	vand.u32 $0x1FF80, v42;
	[tilespmem:v8+s15+$0x0] =	vst.idx.add.f32.msk $0xffff, v37;
	v1 =	vor.u32 v32, v1  }
0xe0: {  	v44 =	vadd.s32 $0x2800, v39;
	v6 =	vor.u32 v7, v6;
	v8 =	vld.idx.msk [tilespmem:v9+s3+$0x0], $0xffff  }
0xe1: {  	v48 =	vand.u32 $0x7F, v43;
	v49 =	vadd.s32 $0x7800, v14;
	v53 =	vadd.s32 $0x2800, v47;
	v30 =	vld.idx.msk [tilespmem:v24+s3+$0x0], $0xffff  }
0xe2: {  	v25 =	vadd.s32 $0x5000, v47;
	v12 =	vand.u32 $0x7F, v34;
	v33 =	vshrl.u32 v26, $0x10;
	[tilespmem:v39+s15+$0x0] =	vst.idx.add.f32.msk $0xffff, v17  }
0xe3: {  	v36 =	vadd.s32 $0x7800, v47;
	v11 =	vand.u32 $0x1FF80, v44;
	v47 =	vshrl.u32 v41, $0x10;
	v10 =	vld.idx.msk [tilespmem:v10+s3+$0x0], $0xffff  }
0xe4: {  	v51 =	vadd.s32 $0x5000, v39;
	v58 =	vadd.s32 $0x2800, v50;
	v11 =	vor.u32 v12, v11;
	[tilespmem:v1+s15+$0x0] =	vst.idx.add.f32.msk $0xffff, v2  }
0xe5: {  	v20 =	vand.u32 $0x7F, v50;
	v1 =	vor.u32 v40, v15;
	[tilespmem:v6+s15+$0x0] =	vst.idx.add.f32.msk $0xffff, v8;
	v6 =	vand.u32 $0x1FF80, v49  }
0xe6: {  	v14 =	vand.u32 $0x1FF80, v58;
	v2 =	vadd.s32 $0x2800, v43;
	v4 =	vld.idx.msk [tilespmem:v4+s3+$0x0], $0xffff;
	v6 =	vor.u32 v7, v6  }
0xe7: {  	v52 =	vand.u32 $0x1FF80, v51;
	v61 =	vor.u32 v20, v14;
	v37 =	vld.idx.msk [tilespmem:v33+s3+$0x0], $0xffff;
	v2 =	vand.u32 $0x1FF80, v2  }
0xe8: {  	v7 =	vor.u32 v12, v52;
	v52 =	vld.idx.msk [tilespmem:v47+s3+$0x0], $0xffff;
	v2 =	vor.u32 v48, v2  }
0xe9: {  	v23 =	vadd.s32 $0x5000, v50;
	v32 =	vadd.s32 $0x7800, v50;
	v50 =	vand.u32 $0xFFFF, v41;
	[tilespmem:v11+s15+$0x0] =	vst.idx.add.f32.msk $0xffff, v10  }
0xea: {  	v3 =	vadd.s32 $0x7800, v3;
	v1 =	vld.idx.msk [tilespmem:v1+s3+$0x0], $0xffff  }
0xeb: {  	v3 =	vand.u32 $0x1FF80, v3;
	[tilespmem:v6+s15+$0x0] =	vst.idx.add.f32.msk $0xffff, v4  }
0xec: {  	v55 =	vand.u32 $0x7F, v38;
	v54 =	vand.u32 $0x1FF80, v53;
	v3 =	vor.u32 v40, v3;
	v6 =	vld.idx.msk [tilespmem:v61+s3+$0x0], $0xffff  }
0xed: {  	v56 =	vadd.s32 $0x5000, v43;
	v5 =	vor.u32 v55, v54;
	v2 =	vld.idx.msk [tilespmem:v2+s3+$0x0], $0xffff  }
0xee: {  	v60 =	vand.u32 $0x1FF80, v56;
	[tilespmem:v50+s15+$0x0] =	vst.idx.add.f32.msk $0xffff, v52  }
0xef: {  	v62 =	vadd.s32 $0x2800, v59;
	v4 =	vor.u32 v48, v60;
	[tilespmem:v7+s15+$0x0] =	vst.idx.add.f32.msk $0xffff, v1;
	v1 =	vadd.s32 $0x7800, v39  }
0xf0: {  	v38 =	vadd.s32 $0x2800, v33;
	v52 =	vld [tilespmem:s20+$0x60];
	v39 =	vand.u32 $0xFFFF, v26;
	v1 =	vand.u32 $0x1FF80, v1  }
0xf1: {  	v40 =	vand.u32 $0x7F, v33;
	v15 =	vand.u32 $0x1FF80, v38;
	v3 =	vld.idx.msk [tilespmem:v3+s3+$0x0], $0xffff;
	v1 =	vor.u32 v12, v1  }
0xf2: {  	v63 =	vand.u32 $0x7F, v46;
	v15 =	vor.u32 v40, v15;
	[tilespmem:v5+s15+$0x0] =	vst.idx.add.f32.msk $0xffff, v2;
	v2 =	vand.u32 $0x1FF80, v62  }
0xf3: {  	v7 =	vand.u32 $0x1FF80, v23;
	v23 =	vld [tilespmem:s20+$0x20];
	v2 =	vor.u32 v63, v2  }
0xf4: {  	v9 =	vadd.s32 $0x7800, v43;
	v7 =	vor.u32 v20, v7;
	v12 =	vand.u32 $0x1FF80, v25;
	v4 =	vld.idx.msk [tilespmem:v4+s3+$0x0], $0xffff  }
0xf5: {  	v9 =	vand.u32 $0x1FF80, v9;
	v12 =	vor.u32 v55, v12;
	[tilespmem:v39+s15+$0x0] =	vst.idx.add.f32.msk $0xffff, v37  }
0xf6: {  	v27 =	vadd.s32 $0x5000, v59;
	v28 =	vadd.s32 $0x2800, v24;
	[tilespmem:v1+s15+$0x0] =	vst.idx.add.f32.msk $0xffff, v3;
	v3 =	vor.u32 v48, v9  }
0xf7: {  	v14 =	vand.u32 $0x1FF80, v28;
	v29 =	vand.u32 $0x7F, v24;
	v15 =	vld.idx.msk [tilespmem:v15+s3+$0x0], $0xffff;
	v1 =	vand.u32 $0xFFFF, v21  }
0xf8: {  	v19 =	vadd.s32 $0x7800, v59;
	v31 =	vor.u32 v29, v14;
	[tilespmem:v2+s15+$0x0] =	vst.idx.add.f32.msk $0xffff, v6;
	v2 =	vand.u32 $0x1FF80, v27  }
0xf9: {  	v42 =	vand.u32 $0x1FF80, v19;
	v7 =	vld.idx.msk [tilespmem:v7+s3+$0x0], $0xffff;
	v2 =	vor.u32 v63, v2  }
0xfa: {  	v5 =	vor.u32 v63, v42;
	[tilespmem:v12+s15+$0x0] =	vst.idx.add.f32.msk $0xffff, v4;
	v4 =	vand.u32 $0x1FF80, v32;
	v63 =	vshrl.u32 v23, $0x10  }
0xfb: {  	v34 =	vadd.s32 $0x2800, v1;
	v4 =	vor.u32 v20, v4;
	v3 =	vld.idx.msk [tilespmem:v3+s3+$0x0], $0xffff  }
0xfc: {  	v48 =	vshrl.u32 v45, $0x10;
	v12 =	vand.u32 $0x7F, v21;
	v9 =	vand.u32 $0x1FF80, v34;
	[tilespmem:v1+s15+$0x0] =	vst.idx.add.f32.msk $0xffff, v30  }
0xfd: {  	v9 =	vor.u32 v12, v9;
	v6 =	vld.idx.msk [tilespmem:v31+s3+$0x0], $0xffff  }
0xfe: {  	v13 =	vand.u32 $0x7F, v26;
	v25 =	vadd.s32 $0x5000, v50;
	[tilespmem:v2+s15+$0x0] =	vst.idx.add.f32.msk $0xffff, v7  }
0xff: {  	v26 =	vand.u32 $0x1FF80, v25;
	v31 =	vand.u32 $0xFFFF, v23;
	v7 =	vand.u32 $0x1FF80, v36;
	v25 =	vld.idx.msk [tilespmem:v63+s3+$0x0], $0xffff  }
0x100: {  	v35 =	vadd.s32 $0x5000, v24;
	v4 =	vld.idx.msk [tilespmem:v4+s3+$0x0], $0xffff;
	v7 =	vor.u32 v55, v7  }
0x101: {  	v2 =	vand.u32 $0x1FF80, v35;
	v55 =	vld.idx.msk [tilespmem:v48+s3+$0x0], $0xffff  }
0x102: {  	v44 =	vadd.s32 $0x2800, v39;
	v2 =	vor.u32 v29, v2;
	[tilespmem:v9+s15+$0x0] =	vst.idx.add.f32.msk $0xffff, v6  }
0x103: {  	v46 =	vadd.s32 $0x5000, v33;
	v57 =	vand.u32 $0xFFFF, v45;
	v9 =	vand.u32 $0x1FF80, v44;
	v44 =	vld [tilespmem:s20+$0x40]  }
0x104: {  	v14 =	vand.u32 $0x1FF80, v46;
	v58 =	vand.u32 $0x7F, v41;
	[tilespmem:v31+s15+$0x0] =	vst.idx.add.f32.msk $0xffff, v25  }
0x105: {  	v51 =	vand.u32 $0x7F, v47;
	v49 =	vadd.s32 $0x2800, v47;
	v9 =	vor.u32 v13, v9;
	[tilespmem:v7+s15+$0x0] =	vst.idx.add.f32.msk $0xffff, v3  }
0x106: {  	v43 =	vadd.s32 $0x5000, v1;
	v3 =	vor.u32 v40, v14;
	[tilespmem:v5+s15+$0x0] =	vst.idx.add.f32.msk $0xffff, v4;
	v5 =	vand.u32 $0x1FF80, v49  }
0x107: {  	v53 =	vadd.s32 $0x5000, v39;
	v6 =	vand.u32 $0x1FF80, v43;
	v2 =	vld.idx.msk [tilespmem:v2+s3+$0x0], $0xffff;
	v5 =	vor.u32 v51, v5  }
0x108: {  	v56 =	vadd.s32 $0x2800, v48;
	v22 =	vand.u32 $0x7F, v48;
	v6 =	vor.u32 v12, v6;
	[tilespmem:v57+s15+$0x0] =	vst.idx.add.f32.msk $0xffff, v55  }
0x109: {  	v62 =	vadd.s32 $0x5000, v48;
	v16 =	vand.u32 $0x1FF80, v56;
	v4 =	vadd.s32 $0x7800, v48;
	v48 =	vld [tilespmem:s20+$0x50]  }
0x10a: {  	v54 =	vadd.s32 $0x2800, v50;
	v16 =	vor.u32 v22, v16;
	[tilespmem:v9+s15+$0x0] =	vst.idx.add.f32.msk $0xffff, v15;
	v9 =	vand.u32 $0x1FF80, v53  }
0x10b: {  	v59 =	vadd.s32 $0x5000, v47;
	v14 =	vand.u32 $0x1FF80, v54;
	v3 =	vld.idx.msk [tilespmem:v3+s3+$0x0], $0xffff;
	v9 =	vor.u32 v13, v9  }
0x10c: {  	v20 =	vand.u32 $0x1FF80, v59;
	v14 =	vor.u32 v58, v14;
	v5 =	vld.idx.msk [tilespmem:v5+s3+$0x0], $0xffff  }
0x10d: {  	v8 =	vadd.s32 $0x7800, v33;
	v20 =	vor.u32 v51, v20;
	[tilespmem:v6+s15+$0x0] =	vst.idx.add.f32.msk $0xffff, v2;
	v2 =	vadd.s32 $0x7800, v24  }
0x10e: {  	v8 =	vand.u32 $0x1FF80, v8;
	v54 =	vld [tilespmem:s20+$0x70];
	v24 =	vadd.s32 $0x2800, v57;
	v2 =	vand.u32 $0x1FF80, v2  }
0x10f: {  	v61 =	vand.u32 $0x7F, v45;
	v16 =	vld.idx.msk [tilespmem:v16+s3+$0x0], $0xffff;
	v60 =	vand.u32 $0x1FF80, v24;
	v2 =	vor.u32 v29, v2  }
0x110: {  	v10 =	vand.u32 $0x1FF80, v62;
	[tilespmem:v9+s15+$0x0] =	vst.idx.add.f32.msk $0xffff, v3;
	v3 =	vor.u32 v40, v8;
	v8 =	vor.u32 v61, v60  }
0x111: {  	v27 =	vadd.s32 $0x7800, v47;
	v10 =	vor.u32 v22, v10;
	[tilespmem:v14+s15+$0x0] =	vst.idx.add.f32.msk $0xffff, v5  }
0x112: {  	v30 =	vadd.s32 $0x2800, v63;
	v5 =	vor.u32 v58, v26;
	v14 =	vand.u32 $0x1FF80, v27;
	v28 =	vld.idx.msk [tilespmem:v20+s3+$0x0], $0xffff  }
0x113: {  	v32 =	vand.u32 $0x7F, v63;
	v19 =	vand.u32 $0x1FF80, v30;
	v40 =	vld [tilespmem:s20+$0x30];
	v7 =	vor.u32 v51, v14  }
0x114: {  	v1 =	vadd.s32 $0x7800, v1;
	v34 =	vor.u32 v32, v19;
	v2 =	vld.idx.msk [tilespmem:v2+s3+$0x0], $0xffff  }
0x115: {  	v1 =	vand.u32 $0x1FF80, v1;
	v29 =	vadd.s32 $0x5000, v57;
	[tilespmem:v8+s15+$0x0] =	vst.idx.add.f32.msk $0xffff, v16  }
0x116: {  	v1 =	vor.u32 v12, v1;
	v33 =	vand.u32 $0x1FF80, v29;
	v10 =	vld.idx.msk [tilespmem:v10+s3+$0x0], $0xffff  }
0x117: {  	v37 =	vadd.s32 $0x5000, v63;
	v35 =	vadd.s32 $0x2800, v31;
	v8 =	vor.u32 v61, v33;
	[tilespmem:v5+s15+$0x0] =	vst.idx.add.f32.msk $0xffff, v28  }
0x118: {  	v36 =	vand.u32 $0x7F, v23;
	v16 =	vshrl.u32 v48, $0x10;
	v5 =	vld.idx.msk [tilespmem:v7+s3+$0x0], $0xffff;
	v7 =	vand.u32 $0x1FF80, v35  }
0x119: {  	v18 =	vand.u32 $0x1FF80, v37;
	v14 =	vld.idx.msk [tilespmem:v34+s3+$0x0], $0xffff;
	v7 =	vor.u32 v36, v7  }
0x11a: {  	v17 =	vadd.s32 $0x7800, v39;
	v38 =	vor.u32 v32, v18;
	v4 =	vand.u32 $0x1FF80, v4;
	v3 =	vld.idx.msk [tilespmem:v3+s3+$0x0], $0xffff  }
0x11b: {  	v39 =	vand.u32 $0x1FF80, v17;
	v4 =	vor.u32 v22, v4;
	[tilespmem:v1+s15+$0x0] =	vst.idx.add.f32.msk $0xffff, v2  }
0x11c: {  	v6 =	vadd.s32 $0x7800, v50;
	[tilespmem:v8+s15+$0x0] =	vst.idx.add.f32.msk $0xffff, v10;
	v10 =	vor.u32 v13, v39  }
0x11d: {  	v43 =	vadd.s32 $0x5000, v31;
	v6 =	vand.u32 $0x1FF80, v6;
	v1 =	vshrl.u32 v40, $0x10;
	v33 =	vld.idx.msk [tilespmem:v16+s3+$0x0], $0xffff  }
0x11e: {  	v41 =	vadd.s32 $0x7800, v57;
	v45 =	vand.u32 $0x1FF80, v43;
	v6 =	vor.u32 v58, v6;
	[tilespmem:v7+s15+$0x0] =	vst.idx.add.f32.msk $0xffff, v14  }
0x11f: {  	v42 =	vand.u32 $0x1FF80, v41;
	v7 =	vor.u32 v36, v45;
	v8 =	vld.idx.msk [tilespmem:v38+s3+$0x0], $0xffff  }
0x120: {  	v9 =	vor.u32 v61, v42;
	v2 =	vadd.s32 $0x7800, v63;
	v4 =	vld.idx.msk [tilespmem:v4+s3+$0x0], $0xffff  }
0x121: {  	v2 =	vand.u32 $0x1FF80, v2;
	[tilespmem:v10+s15+$0x0] =	vst.idx.add.f32.msk $0xffff, v3;
	v3 =	vshrl.u32 v44, $0x10  }
0x122: {  	v49 =	vadd.s32 $0x7800, v31;
	v2 =	vor.u32 v32, v2;
	v46 =	vld.idx.msk [tilespmem:v1+s3+$0x0], $0xffff  }
0x123: {  	v17 =	vand.u32 $0x7F, v44;
	v61 =	vshrl.u32 v54, $0x10;
	v47 =	vadd.s32 $0x2800, v1;
	[tilespmem:v6+s15+$0x0] =	vst.idx.add.f32.msk $0xffff, v5  }
0x124: {  	v6 =	vand.u32 $0xFFFF, v40;
	v5 =	vand.u32 $0x1FF80, v47;
	[tilespmem:v7+s15+$0x0] =	vst.idx.add.f32.msk $0xffff, v8;
	v7 =	vand.u32 $0x7F, v1  }
0x125: {  	v15 =	vand.u32 $0x7F, v52;
	v62 =	vand.u32 $0xFFFF, v48;
	[tilespmem:v9+s15+$0x0] =	vst.idx.add.f32.msk $0xffff, v4;
	v5 =	vor.u32 v7, v5  }
0x126: {  	v13 =	vand.u32 $0xFFFF, v44;
	v51 =	vadd.s32 $0x2800, v3;
	v9 =	vand.u32 $0x1FF80, v49;
	v50 =	vld.idx.msk [tilespmem:v3+s3+$0x0], $0xffff  }
0x127: {  	v14 =	vand.u32 $0x7F, v3;
	v11 =	vand.u32 $0x1FF80, v51;
	v9 =	vor.u32 v36, v9;
	v2 =	vld.idx.msk [tilespmem:v2+s3+$0x0], $0xffff  }
0x128: {  	v58 =	vshrl.u32 v52, $0x10;
	v26 =	vand.u32 $0xFFFF, v54;
	v28 =	vld.idx.msk [tilespmem:v61+s3+$0x0], $0xffff;
	v11 =	vor.u32 v14, v11  }
0x129: {  	v18 =	vand.u32 $0x7F, v54;
	v37 =	vand.u32 $0x7F, v58;
	v43 =	vadd.s32 $0x2800, v26;
	[tilespmem:v6+s15+$0x0] =	vst.idx.add.f32.msk $0xffff, v46  }
0x12a: {  	v12 =	vand.u32 $0x7F, v40;
	v60 =	vadd.s32 $0x2800, v16;
	v53 =	vadd.s32 $0x2800, v6;
	v5 =	vld.idx.msk [tilespmem:v5+s3+$0x0], $0xffff  }
0x12b: {  	v27 =	vand.u32 $0x7F, v61;
	v56 =	vadd.s32 $0x2800, v13;
	v55 =	vand.u32 $0x1FF80, v53;
	[tilespmem:v13+s15+$0x0] =	vst.idx.add.f32.msk $0xffff, v50  }
0x12c: {  	v59 =	vadd.s32 $0x5000, v1;
	v57 =	vand.u32 $0x1FF80, v56;
	v4 =	vor.u32 v12, v55;
	[tilespmem:v9+s15+$0x0] =	vst.idx.add.f32.msk $0xffff, v2  }
0x12d: {  	v30 =	vadd.s32 $0x5000, v16;
	v10 =	vor.u32 v17, v57;
	v2 =	vand.u32 $0x1FF80, v59;
	v11 =	vld.idx.msk [tilespmem:v11+s3+$0x0], $0xffff  }
0x12e: {  	v63 =	vand.u32 $0x7F, v16;
	v35 =	vadd.s32 $0x2800, v58;
	v38 =	vld.idx.msk [tilespmem:v58+s3+$0x0], $0xffff;
	v2 =	vor.u32 v7, v2  }
0x12f: {  	[tilespmem:v62+s15+$0x0] =	vst.idx.add.f32.msk $0xffff, v33;
	v41 =	vadd.s32 $0x5000, v3;
	v36 =	vand.u32 $0xFFFF, v52;
	v9 =	vand.u32 $0x1FF80, v60  }
0x130: {  	v40 =	vadd.s32 $0x2800, v61;
	[tilespmem:v26+s15+$0x0] =	vst.idx.add.f32.msk $0xffff, v28;
	v23 =	vand.u32 $0x1FF80, v41;
	v34 =	vor.u32 v63, v9  }
0x131: {  	v23 =	vor.u32 v14, v23;
	v50 =	vadd.s32 $0x5000, v6;
	[tilespmem:v4+s15+$0x0] =	vst.idx.add.f32.msk $0xffff, v5;
	v5 =	vand.u32 $0x1FF80, v35  }
0x132: {  	v45 =	vand.u32 $0x1FF80, v30;
	v30 =	vand.u32 $0x1FF80, v50;
	[tilespmem:v10+s15+$0x0] =	vst.idx.add.f32.msk $0xffff, v11;
	v5 =	vor.u32 v37, v5  }
0x133: {  	v39 =	vadd.s32 $0x2800, v62;
	v53 =	vor.u32 v12, v30;
	v11 =	vand.u32 $0x1FF80, v40;
	v2 =	vld.idx.msk [tilespmem:v2+s3+$0x0], $0xffff  }
0x134: {  	v8 =	vand.u32 $0x7F, v48;
	[tilespmem:v36+s15+$0x0] =	vst.idx.add.f32.msk $0xffff, v38;
	v10 =	vand.u32 $0x1FF80, v39;
	v11 =	vor.u32 v27, v11  }
0x135: {  	v54 =	vadd.s32 $0x5000, v62;
	v29 =	vadd.s32 $0x2800, v36;
	v4 =	vld.idx.msk [tilespmem:v34+s3+$0x0], $0xffff;
	v10 =	vor.u32 v8, v10  }
0x136: {  	v47 =	vor.u32 v63, v45;
	v42 =	vand.u32 $0x1FF80, v29;
	v1 =	vadd.s32 $0x7800, v1;
	v23 =	vld.idx.msk [tilespmem:v23+s3+$0x0], $0xffff  }
0x137: {  	v44 =	vand.u32 $0x1FF80, v43;
	v25 =	vor.u32 v15, v42;
	v1 =	vand.u32 $0x1FF80, v1;
	v5 =	vld.idx.msk [tilespmem:v5+s3+$0x0], $0xffff  }
0x138: {  	v28 =	vor.u32 v18, v44;
	v46 =	vadd.s32 $0x5000, v58;
	v1 =	vor.u32 v7, v1;
	[tilespmem:v53+s15+$0x0] =	vst.idx.add.f32.msk $0xffff, v2  }
0x139: {  	v49 =	vadd.s32 $0x5000, v61;
	v51 =	vadd.s32 $0x5000, v13;
	v48 =	vand.u32 $0x1FF80, v46;
	v11 =	vld.idx.msk [tilespmem:v11+s3+$0x0], $0xffff  }
0x13a: {  	v29 =	vand.u32 $0x1FF80, v49;
	v30 =	vand.u32 $0x1FF80, v54;
	[tilespmem:v10+s15+$0x0] =	vst.idx.add.f32.msk $0xffff, v4;
	v10 =	vor.u32 v37, v48  }
0x13b: {  	v52 =	vor.u32 v27, v29;
	v3 =	vadd.s32 $0x7800, v3;
	v56 =	vor.u32 v8, v30;
	v4 =	vld.idx.msk [tilespmem:v47+s3+$0x0], $0xffff  }
0x13c: {  	v2 =	vand.u32 $0x1FF80, v3;
	v3 =	vadd.s32 $0x7800, v16;
	[tilespmem:v25+s15+$0x0] =	vst.idx.add.f32.msk $0xffff, v5;
	v5 =	vand.u32 $0x1FF80, v51  }
0x13d: {  	v55 =	vadd.s32 $0x5000, v36;
	v3 =	vand.u32 $0x1FF80, v3;
	v1 =	vld.idx.msk [tilespmem:v1+s3+$0x0], $0xffff;
	v5 =	vor.u32 v17, v5  }
0x13e: {  	v3 =	vor.u32 v63, v3;
	[tilespmem:v28+s15+$0x0] =	vst.idx.add.f32.msk $0xffff, v11;
	v11 =	vand.u32 $0x1FF80, v55  }
0x13f: {  	v57 =	vadd.s32 $0x5000, v26;
	v10 =	vld.idx.msk [tilespmem:v10+s3+$0x0], $0xffff;
	v11 =	vor.u32 v15, v11  }
0x140: {  	v58 =	vadd.s32 $0x7800, v58;
	v30 =	vand.u32 $0x1FF80, v57;
	v2 =	vor.u32 v14, v2;
	v25 =	vld.idx.msk [tilespmem:v52+s3+$0x0], $0xffff  }
0x141: {  	v59 =	vand.u32 $0x1FF80, v58;
	v60 =	vadd.s32 $0x7800, v61;
	v30 =	vor.u32 v18, v30;
	[tilespmem:v56+s15+$0x0] =	vst.idx.add.f32.msk $0xffff, v4  }
0x142: {  	v6 =	vadd.s32 $0x7800, v6;
	v4 =	vor.u32 v37, v59;
	[tilespmem:v5+s15+$0x0] =	vst.idx.add.f32.msk $0xffff, v23;
	v5 =	vand.u32 $0x1FF80, v60  }
0x143: {  	v61 =	vadd.s32 $0x7800, v13;
	v6 =	vand.u32 $0x1FF80, v6;
	v3 =	vld.idx.msk [tilespmem:v3+s3+$0x0], $0xffff;
	v5 =	vor.u32 v27, v5  }
0x144: {  	v62 =	vadd.s32 $0x7800, v62;
	v7 =	vand.u32 $0x1FF80, v61;
	v6 =	vor.u32 v12, v6;
	[tilespmem:v11+s15+$0x0] =	vst.idx.add.f32.msk $0xffff, v10  }
0x145: {  	v9 =	vadd.s32 $0x7800, v36;
	v7 =	vor.u32 v17, v7;
	v2 =	vld.idx.msk [tilespmem:v2+s3+$0x0], $0xffff;
	v10 =	vand.u32 $0x1FF80, v62  }
0x146: {  	v9 =	vand.u32 $0x1FF80, v9;
	v63 =	vadd.s32 $0x7800, v26;
	[tilespmem:v30+s15+$0x0] =	vst.idx.add.f32.msk $0xffff, v25;
	v8 =	vor.u32 v8, v10  }
0x147: {  	s19 =	sadd.s32 $0x10, s19;
	v9 =	vor.u32 v15, v9;
	v4 =	vld.idx.msk [tilespmem:v4+s3+$0x0], $0xffff;
	v10 =	vand.u32 $0x1FF80, v63  }
0x148: {  	p0 =	slt.u32 s19, $0x70;
	v10 =	vor.u32 v18, v10;
	v5 =	vld.idx.msk [tilespmem:v5+s3+$0x0], $0xffff  }
.Ltmp2:
0x149: {  	[tilespmem:v6+s15+$0x0] =	vst.idx.add.f32.msk $0xffff, v1;
	(pc) =	sbr.rel @p0 .LBB2_7-.Ltmp2, $4  }
0x14a: {  	[tilespmem:v7+s15+$0x0] =	vst.idx.add.f32.msk $0xffff, v2  }
0x14b: {  	[tilespmem:v8+s15+$0x0] =	vst.idx.add.f32.msk $0xffff, v3  }
0x14c: {  	[tilespmem:v9+s15+$0x0] =	vst.idx.add.f32.msk $0xffff, v4  }
0x14d: {  	s20 =	sadd.s32 $0x100, s20;
	[tilespmem:v10+s15+$0x0] =	vst.idx.add.f32.msk $0xffff, v5  }
0x14e: {  	s18 =	sadd.s32 $0x1, s18  }
0x14f: {  	p0 =	sne.s32 s18, $0x50  }
.Ltmp3:
0x150: {  	_ = 	snop;
	(pc) =	sbr.rel @p0 .LBB2_4-.Ltmp3, $1  }
0x151: {  	_ =	sdelay $0x3  }
0x152: {  	s17 =	sadd.s32 $0x1, s17  }
0x153: {  	p0 =	sne.s32 s17, s8  }
.Ltmp4:
0x154: {  	_ = 	snop;
	(pc) =	sbr.rel @p0 .LBB2_1-.Ltmp4, $4  }
0x155: {  	[hbm4b:s7+s9] =	stream.strided.scatter [tilespmem:s15], [sflag:$0x3], $0xA000, s10, s9, $0x38;
	[tilespmem:$0x15000] =	vst v63  }
0x156: {  	_ =	swait.ge [sflag:s11], $0xA000  }
0x157: {  	[sflag:s11] =	ssyncset.done $0x0  }
0x158: {  	[sflag:s11] =	ssyncadd.s32 $0xFFFF6000  }
0x159: {  	_ =	sfence.sel $0x180000  }
0x15a: {  	[bflag:$0x0] =	sbarrier.arrive $0xFFFF  }
0x15b: {  	p0 =	sne.s32 s0, $0x0;
	_ =	strace $0x9000004A  }
0x15c: {  	s0 =	sadd.s32 @!p0 $0x100000, s1;
	[bflag:$0x2] =	sbarrier.arrive $0xFFFF  }
0x15d: {  	[sflag:s0] =	ssyncadd.tile.s32 @!p0 $0x1;
	_ =	shalt  }
.Lfunc_end2:
_tile_overlayer_lowered:
.L_overlay_start_2:
0x15e: {  	(tag) =	ssettag $0x2  }
0x15f: {  	s0 =	rddreg [dreg:$0x0];
	s2 =	stileid.u32  }
0x160: {  	s1 =	rddreg [dreg:$0x1];
	p0 =	sne.s32 s2, $0x0  }
0x161: {  	s3 =	rddreg [dreg:$0x2];
	[bflag:$0x3] =	sbarrier.arrive $0xFFFF;
	s2 =	simm.s32 @!p0 $0x1C03  }
0x162: {  	[timem:s3], [sflag:s2] =	dma.local @!p0 [hbm:s0], s1  }
0x163: {  	s0 =	simm.s32 @!p0 $0x3  }
0x164: {  	_ =	swait.ge @!p0 [sflag:s0], s1  }
0x165: {  	s1 =	ssub.s32 @!p0 $0x0, s1;
	[sflag:s0] =	ssyncset.done @!p0 $0x0  }
0x166: {  	[sflag:s0] =	ssyncadd.s32 @!p0 s1  }
0x167: {  	[bflag:$0x3] =	sbarrier.arrive $0xFFFF  }
0x168: {  	_ =	shalt  }

</sc_bundles>
